<compile_context>
chip_gen: v7x
topology: tpu7x:2x2x1
jax: 0.10.2.dev20260603
libtpu: 0.0.44.dev20260713+nightly
codegen_flags: <defaults>
</compile_context>

<pallas_src>
import jax
import jax.numpy as jnp
from jax import lax
from jax.experimental import pallas as pl
from jax.experimental.pallas import tpu as pltpu
from jax.experimental.pallas import tpu_sc as plsc

N = 10000
D = 128
E = 320000
NC = 2
NS = 16
NW = NC * NS
CHUNK = 128
CPW = 80
EPAD = NW * CPW * CHUNK
ECH = EPAD // CHUNK
IBLK = 16
NPAD = 10112
RPT = NPAD // NS
XPT = NPAD // NS
DEGW = 128

ROWS = 2000
GRID = N // ROWS

_MESH = dict(core_axis_name="c", subcore_axis_name="s",
             num_cores=NC, num_subcores=NS)



def _deg_body(dst_hbm, ones_hbm, z_hbm, out_hbm, didx, onesv, acc, sem):
    c = lax.axis_index("c")
    s = lax.axis_index("s")
    w = s * NC + c
    pltpu.sync_copy(ones_hbm, onesv)
    pltpu.sync_copy(z_hbm.at[pl.ds(s * RPT, RPT)], acc.at[pl.ds(s * RPT, RPT)])
    plsc.subcore_barrier()

    def step(i, carry):
        off = (w * CPW + i) * CHUNK
        pltpu.sync_copy(dst_hbm.at[pl.ds(off, CHUNK)], didx)
        pltpu.sync_copy(onesv, acc.at[didx], add=True)
        return carry

    lax.fori_loop(0, CPW, step, 0)
    plsc.subcore_barrier()
    pltpu.sync_copy(acc.at[pl.ds(s * XPT, XPT)],
                    out_hbm.at[c, pl.ds(s * XPT, XPT)])


def _deg_call(dstp, ones, zeros):
    f = pl.kernel(
        _deg_body,
        out_type=jax.ShapeDtypeStruct((NC, NPAD, DEGW), jnp.float32),
        mesh=plsc.VectorSubcoreMesh(**_MESH),
        scratch_types=[
            pltpu.VMEM((CHUNK,), jnp.int32),
            pltpu.VMEM((CHUNK, DEGW), jnp.float32),
            pltpu.VMEM_SHARED((NPAD, DEGW), jnp.float32),
            pltpu.SemaphoreType.DMA,
        ],
    )
    return f(dstp, ones, zeros)


NBUF = 2


def _agg_body(y_hbm, src_hbm, dst_hbm, z_hbm, out_hbm, *scratch):
    sidx = scratch[0:NBUF]
    didx = scratch[NBUF:2 * NBUF]
    rows = scratch[2 * NBUF:3 * NBUF]
    acc = scratch[3 * NBUF]
    gsem = scratch[3 * NBUF + 1:3 * NBUF + 1 + NBUF]
    ssem = scratch[3 * NBUF + 1 + NBUF:]
    c = lax.axis_index("c")
    s = lax.axis_index("s")
    w = s * NC + c
    base = w * CPW * CHUNK
    pltpu.sync_copy(z_hbm.at[pl.ds(s * RPT, RPT)], acc.at[pl.ds(s * RPT, RPT)])
    plsc.subcore_barrier()

    def step(i, carry):
        offs = [base + (NBUF * i + k) * CHUNK for k in range(NBUF)]
        g = []
        for k in range(NBUF):
            pltpu.sync_copy(src_hbm.at[pl.ds(offs[k], CHUNK)], sidx[k])
            pltpu.sync_copy(dst_hbm.at[pl.ds(offs[k], CHUNK)], didx[k])
            g.append(pltpu.async_copy(y_hbm.at[sidx[k]], rows[k], gsem[k]))
        sc = []
        for k in range(NBUF):
            g[k].wait()
            sc.append(pltpu.async_copy(rows[k], acc.at[didx[k]], ssem[k],
                                       add=True))
        for k in range(NBUF):
            sc[k].wait()
        return carry

    lax.fori_loop(0, CPW // NBUF, step, 0)
    plsc.subcore_barrier()
    pltpu.sync_copy(acc.at[pl.ds(s * XPT, XPT)],
                    out_hbm.at[c, pl.ds(s * XPT, XPT)])


def _agg_call(y, srcp, dstp, zeros):
    f = pl.kernel(
        _agg_body,
        out_type=jax.ShapeDtypeStruct((NC, NPAD, D), jnp.float32),
        mesh=plsc.VectorSubcoreMesh(**_MESH),
        scratch_types=(
            [pltpu.VMEM((CHUNK,), jnp.int32)] * NBUF
            + [pltpu.VMEM((CHUNK,), jnp.int32)] * NBUF
            + [pltpu.VMEM((CHUNK, D), jnp.float32)] * NBUF
            + [pltpu.VMEM_SHARED((NPAD, D), jnp.float32)]
            + [pltpu.SemaphoreType.DMA] * (2 * NBUF)
        ),
    )
    return f(y, srcp, dstp, zeros)



def _dinv(deg_ref):
    dsum = deg_ref[0] + deg_ref[1]
    return lax.rsqrt(dsum[:, 0:1] + 1.0)


def _prep_body(deg_ref, x_ref, w_ref, t_ref, y_ref):
    dinv = _dinv(deg_ref)
    t = jnp.dot(x_ref[...], w_ref[...], preferred_element_type=jnp.float32)
    t_ref[...] = t
    y_ref[...] = dinv * t


def _mid_body(deg_ref, agg_ref, t_ref, b_ref, w_ref, tn_ref, yn_ref):
    dinv = _dinv(deg_ref)
    a = agg_ref[0] + agg_ref[1]
    h = jnp.maximum(dinv * a + (dinv * dinv) * t_ref[...] + b_ref[...], 0.0)
    t = jnp.dot(h, w_ref[...], preferred_element_type=jnp.float32)
    tn_ref[...] = t
    yn_ref[...] = dinv * t


def _final_body(deg_ref, agg_ref, t_ref, b_ref, out_ref):
    dinv = _dinv(deg_ref)
    a = agg_ref[0] + agg_ref[1]
    out_ref[...] = dinv * a + (dinv * dinv) * t_ref[...] + b_ref[...]


_DEG_SPEC = pl.BlockSpec((NC, ROWS, DEGW), lambda i: (0, i, 0))
_AGG_SPEC = pl.BlockSpec((NC, ROWS, D), lambda i: (0, i, 0))
_ROW_SPEC = pl.BlockSpec((ROWS, D), lambda i: (i, 0))
_W_SPEC = pl.BlockSpec((D, D), lambda i: (0, 0))
_B_SPEC = pl.BlockSpec((1, D), lambda i: (0, 0))
_ROW_OUT = jax.ShapeDtypeStruct((N, D), jnp.float32)


def _prep_call(deg, x, W0):
    return pl.pallas_call(
        _prep_body,
        grid=(GRID,),
        in_specs=[_DEG_SPEC, _ROW_SPEC, _W_SPEC],
        out_specs=[_ROW_SPEC, _ROW_SPEC],
        out_shape=[_ROW_OUT, _ROW_OUT],
    )(deg, x, W0)


def _mid_call(deg, agg, t, b, W):
    return pl.pallas_call(
        _mid_body,
        grid=(GRID,),
        in_specs=[_DEG_SPEC, _AGG_SPEC, _ROW_SPEC, _B_SPEC, _W_SPEC],
        out_specs=[_ROW_SPEC, _ROW_SPEC],
        out_shape=[_ROW_OUT, _ROW_OUT],
    )(deg, agg, t, b, W)


def _final_call(deg, agg, t, b):
    return pl.pallas_call(
        _final_body,
        grid=(GRID,),
        in_specs=[_DEG_SPEC, _AGG_SPEC, _ROW_SPEC, _B_SPEC],
        out_specs=_ROW_SPEC,
        out_shape=_ROW_OUT,
    )(deg, agg, t, b)



def kernel(x, edge_index, W0, b0, W1, b1, Wf, bf):
    src = edge_index[0].astype(jnp.int32)
    dst = edge_index[1].astype(jnp.int32)
    pad = EPAD - E
    pidx = jnp.arange(pad, dtype=jnp.int32)
    srcp = jnp.concatenate([src, pidx % N])
    dstp = jnp.concatenate([dst, N + pidx % (NPAD - N)])
    zeros = jnp.zeros((NPAD, D), jnp.float32)
    ones = jnp.ones((CHUNK, DEGW), jnp.float32)
    b0r = b0.reshape(1, D)
    b1r = b1.reshape(1, D)
    bfr = bf.reshape(1, D)

    deg = _deg_call(dstp, ones, zeros)
    t0, y0 = _prep_call(deg, x, W0)
    agg0 = _agg_call(y0, srcp, dstp, zeros)
    t1, y1 = _mid_call(deg, agg0, t0, b0r, W1)
    agg1 = _agg_call(y1, srcp, dstp, zeros)
    t2, y2 = _mid_call(deg, agg1, t1, b1r, Wf)
    agg2 = _agg_call(y2, srcp, dstp, zeros)
    return _final_call(deg, agg2, t2, bfr)

# --- scband reference (transcript-rebuilt; emitter-appended) ---
"""Pipeline reference for scband-gcn-28501402976601 (READ-ONLY COPY).

The authoritative reference and input builder live on the scoring server;
editing this copy changes nothing except your own understanding.
"""

import jax, jax.numpy as jnp
import numpy as np

N_NODES = 10000
D_IN = 128
D_HID = 128
D_OUT = 128


def gcn_conv(x, src, dst, W, b, num_nodes):
    # x: [N, d_in], src/dst include self-loops already appended by caller? No: add here.
    loop = jnp.arange(num_nodes, dtype=src.dtype)
    s = jnp.concatenate([src, loop])
    d = jnp.concatenate([dst, loop])
    deg = jnp.zeros((num_nodes,), dtype=x.dtype).at[d].add(1.0)
    dinv = jnp.where(deg > 0, deg ** -0.5, 0.0)
    norm = dinv[s] * dinv[d]
    xw = x @ W
    msg = xw[s] * norm[:, None]
    out = jnp.zeros((num_nodes, W.shape[1]), dtype=x.dtype).at[d].add(msg)
    return out + b


def setup_inputs(seed: int = 0) -> dict:
    key = jax.random.key(seed)
    k_x, k_e, k0, k1, kf = jax.random.split(key, 5)
    x = jax.random.normal(k_x, (N_NODES, D_IN), dtype=jnp.float32)
    edge_index = jax.random.randint(k_e, (2, 320000), 0, N_NODES, dtype=jnp.int64)
    glorot = lambda k, fi, fo: jax.random.uniform(k, (fi, fo), dtype=jnp.float32, minval=-1.0, maxval=1.0) * np.sqrt(6.0 / (fi + fo))
    W0 = glorot(k0, D_IN, D_HID)
    b0 = jnp.zeros((D_HID,), dtype=jnp.float32)
    W1 = glorot(k1, D_HID, D_HID)
    b1 = jnp.zeros((D_HID,), dtype=jnp.float32)
    Wf = glorot(kf, D_HID, D_OUT)
    bf = jnp.zeros((D_OUT,), dtype=jnp.float32)
    return {"x": x, "edge_index": edge_index, "W0": W0, "b0": b0, "W1": W1, "b1": b1, "Wf": Wf, "bf": bf}


def reference(x, edge_index, W0, b0, W1, b1, Wf, bf):
    src, dst = edge_index[0], edge_index[1]
    # layer 0: conv -> relu -> dropout(p=0.0, identity)
    h = gcn_conv(x, src, dst, W0, b0, N_NODES)
    h = jax.nn.relu(h)
    # layer 1
    h = gcn_conv(h, src, dst, W1, b1, N_NODES)
    h = jax.nn.relu(h)
    # final conv, no activation
    out = gcn_conv(h, src, dst, Wf, bf, N_NODES)
    return out

if __name__ == "__main__":
    import jax
    _d = setup_inputs()
    print(jax.jit(kernel)(*tuple(_d.values())))

</pallas_src>

<mosaic_0001>
#map = affine_map<(d0, d1) -> (0)>
#map1 = affine_map<(d0, d1) -> (0, 0)>
#map2 = affine_map<(d0, d1) -> (0, 0, 0)>
module attributes {stable_mosaic.version = 14 : i64} {
  func.func @_deg_body(%arg0: i32, %arg1: i32, %arg2: memref<327680xi32, #tpu.memory_space<hbm>>, %arg3: memref<128x128xf32, #tpu.memory_space<hbm>>, %arg4: memref<10112x128xf32, #tpu.memory_space<hbm>>, %arg5: memref<2x10112x128xf32, #tpu.memory_space<hbm>>, %arg6: memref<128xi32, #tpu.memory_space<vmem>>, %arg7: memref<128x128xf32, #tpu.memory_space<vmem>>, %arg8: memref<10112x128xf32, #tpu.memory_space<vmem_shared>>, %arg9: memref<!tpu.dma_semaphore, #tpu.memory_space<semaphore_mem>>) attributes {dimension_semantics = [#tpu.dimension_semantics<core_parallel>, #tpu.dimension_semantics<subcore_parallel>], iteration_bounds = array<i64: 2, 16>, scalar_prefetch = 0 : i64, scratch_operands = 4 : i64, tpu.core_type = #tpu.core_type<sc_vector_subcore>, window_params = [{transform_indices = #map}, {transform_indices = #map1}, {transform_indices = #map1}, {transform_indices = #map2}]} {
    %mul3A = arith.constant 2 : i32
    %mul3A_0 = arith.muli %arg1, %mul3A : i32
    %add3A = arith.addi %mul3A_0, %arg0 : i32
    "tpu.region"() ({
      %run_scoped3A = tpu.sem_alloc : memref<!tpu.dma_semaphore, #tpu.memory_space<semaphore_mem>>
      tpu.enqueue_dma source(%arg3 : memref<128x128xf32, #tpu.memory_space<hbm>>) target(%arg7 : memref<128x128xf32, #tpu.memory_space<vmem>>) target_semaphore(%run_scoped3A : memref<!tpu.dma_semaphore, #tpu.memory_space<semaphore_mem>>)
      tpu.wait_dma2 semaphore(%run_scoped3A : memref<!tpu.dma_semaphore, #tpu.memory_space<semaphore_mem>>) src(%arg3 : memref<128x128xf32, #tpu.memory_space<hbm>>) dst(%arg7 : memref<128x128xf32, #tpu.memory_space<vmem>>)
      tpu.yield
    }) : () -> ()
    %mul3A_1 = arith.constant 632 : i32
    %mul3A_2 = arith.muli %arg1, %mul3A_1 : i32
    %mul3A_3 = arith.constant 632 : i32
    %mul3A_4 = arith.muli %arg1, %mul3A_3 : i32
    "tpu.region"() ({
      %run_scoped3A = tpu.sem_alloc : memref<!tpu.dma_semaphore, #tpu.memory_space<semaphore_mem>>
      %dma_start3A = arith.constant 0 : i32
      %dma_start3A_15 = tpu.memref_slice %arg8[%mul3A_4, %dma_start3A] : memref<10112x128xf32, #tpu.memory_space<vmem_shared>> -> memref<632x128xf32, #tpu.memory_space<vmem_shared>>
      %dma_start3A_16 = arith.constant 0 : i32
      %dma_start3A_17 = tpu.memref_slice %arg4[%mul3A_2, %dma_start3A_16] : memref<10112x128xf32, #tpu.memory_space<hbm>> -> memref<632x128xf32, #tpu.memory_space<hbm>>
      tpu.enqueue_dma source(%dma_start3A_17 : memref<632x128xf32, #tpu.memory_space<hbm>>) target(%dma_start3A_15 : memref<632x128xf32, #tpu.memory_space<vmem_shared>>) target_semaphore(%run_scoped3A : memref<!tpu.dma_semaphore, #tpu.memory_space<semaphore_mem>>)
      %dma_wait3A = arith.constant 0 : i32
      %dma_wait3A_18 = tpu.memref_slice %arg8[%mul3A_4, %dma_wait3A] : memref<10112x128xf32, #tpu.memory_space<vmem_shared>> -> memref<632x128xf32, #tpu.memory_space<vmem_shared>>
      %dma_wait3A_19 = arith.constant 0 : i32
      %dma_wait3A_20 = tpu.memref_slice %arg4[%mul3A_2, %dma_wait3A_19] : memref<10112x128xf32, #tpu.memory_space<hbm>> -> memref<632x128xf32, #tpu.memory_space<hbm>>
      tpu.wait_dma2 semaphore(%run_scoped3A : memref<!tpu.dma_semaphore, #tpu.memory_space<semaphore_mem>>) src(%dma_wait3A_20 : memref<632x128xf32, #tpu.memory_space<hbm>>) dst(%dma_wait3A_18 : memref<632x128xf32, #tpu.memory_space<vmem_shared>>)
      tpu.yield
    }) : () -> ()
    %barrier3A = arith.constant 0 : index
    tpu.barrier barrier_id(%barrier3A)
    %scan3A = arith.constant 0 : i32
    %scan3A_5 = arith.constant 0 : i32
    %scan3A_6 = arith.constant 80 : i32
    %scan3A_7 = arith.addi %scan3A_5, %scan3A_6 : i32
    %scan3A_8 = arith.constant 1 : i32
    scf.for %scan3A_15 = %scan3A_5 to %scan3A_7 step %scan3A_8  : i32 {
      %mul3A_16 = arith.constant 80 : i32
      %mul3A_17 = arith.muli %add3A, %mul3A_16 : i32
      %add3A_18 = arith.addi %mul3A_17, %scan3A_15 : i32
      %mul3A_19 = arith.constant 128 : i32
      %mul3A_20 = arith.muli %add3A_18, %mul3A_19 : i32
      "tpu.region"() ({
        %run_scoped3A = tpu.sem_alloc : memref<!tpu.dma_semaphore, #tpu.memory_space<semaphore_mem>>
        %dma_start3A = tpu.memref_slice %arg2[%mul3A_20] : memref<327680xi32, #tpu.memory_space<hbm>> -> memref<128xi32, #tpu.memory_space<hbm>>
        %dma_start3A_21 = tpu.memref_slice %arg2[%mul3A_20] : memref<327680xi32, #tpu.memory_space<hbm>> -> memref<128xi32, #tpu.memory_space<hbm>>
        tpu.enqueue_dma source(%dma_start3A_21 : memref<128xi32, #tpu.memory_space<hbm>>) target(%arg6 : memref<128xi32, #tpu.memory_space<vmem>>) target_semaphore(%run_scoped3A : memref<!tpu.dma_semaphore, #tpu.memory_space<semaphore_mem>>)
        %dma_wait3A = tpu.memref_slice %arg2[%mul3A_20] : memref<327680xi32, #tpu.memory_space<hbm>> -> memref<128xi32, #tpu.memory_space<hbm>>
        %dma_wait3A_22 = tpu.memref_slice %arg2[%mul3A_20] : memref<327680xi32, #tpu.memory_space<hbm>> -> memref<128xi32, #tpu.memory_space<hbm>>
        tpu.wait_dma2 semaphore(%run_scoped3A : memref<!tpu.dma_semaphore, #tpu.memory_space<semaphore_mem>>) src(%dma_wait3A_22 : memref<128xi32, #tpu.memory_space<hbm>>) dst(%arg6 : memref<128xi32, #tpu.memory_space<vmem>>)
        tpu.yield
      }) : () -> ()
      "tpu.region"() ({
        %run_scoped3A = tpu.sem_alloc : memref<!tpu.dma_semaphore, #tpu.memory_space<semaphore_mem>>
        %dma_start3A = arith.constant 0 : i32
        %dma_start3A_21 = arith.constant 0 : i32
        %dma_start3A_22 = tpu.memref_slice %arg8[%dma_start3A, %dma_start3A_21] : memref<10112x128xf32, #tpu.memory_space<vmem_shared>> -> memref<10112x128xf32, #tpu.memory_space<vmem_shared>>
        tpu.enqueue_indirect_dma source(%arg7 : memref<128x128xf32, #tpu.memory_space<vmem>>) target(%dma_start3A_22 : memref<10112x128xf32, #tpu.memory_space<vmem_shared>>) offsets(%arg6 : memref<128xi32, #tpu.memory_space<vmem>>) semaphore(%run_scoped3A : memref<!tpu.dma_semaphore, #tpu.memory_space<semaphore_mem>>) {add = true}
        %dma_wait3A = arith.constant 0 : i32
        %dma_wait3A_23 = arith.constant 0 : i32
        %dma_wait3A_24 = tpu.memref_slice %arg8[%dma_wait3A, %dma_wait3A_23] : memref<10112x128xf32, #tpu.memory_space<vmem_shared>> -> memref<10112x128xf32, #tpu.memory_space<vmem_shared>>
        tpu.wait_indirect_dma semaphore(%run_scoped3A : memref<!tpu.dma_semaphore, #tpu.memory_space<semaphore_mem>>) src(%arg7 : memref<128x128xf32, #tpu.memory_space<vmem>>) dst(%dma_wait3A_24 : memref<10112x128xf32, #tpu.memory_space<vmem_shared>>)
        tpu.yield
      }) : () -> ()
    }
    %scan3A_9 = arith.constant 80 : i32
    %barrier3A_10 = arith.constant 0 : index
    tpu.barrier barrier_id(%barrier3A_10)
    %mul3A_11 = arith.constant 632 : i32
    %mul3A_12 = arith.muli %arg1, %mul3A_11 : i32
    %mul3A_13 = arith.constant 632 : i32
    %mul3A_14 = arith.muli %arg1, %mul3A_13 : i32
    "tpu.region"() ({
      %run_scoped3A = tpu.sem_alloc : memref<!tpu.dma_semaphore, #tpu.memory_space<semaphore_mem>>
      %dma_start3A = arith.constant 0 : i32
      %dma_start3A_15 = tpu.memref_slice %arg5[%arg0, %mul3A_14, %dma_start3A] : memref<2x10112x128xf32, #tpu.memory_space<hbm>> -> memref<1x632x128xf32, #tpu.memory_space<hbm>>
      %dma_start3A_16 = tpu.memref_squeeze %dma_start3A_15 : memref<1x632x128xf32, #tpu.memory_space<hbm>> -> memref<632x128xf32, #tpu.memory_space<hbm>>
      %dma_start3A_17 = arith.constant 0 : i32
      %dma_start3A_18 = tpu.memref_slice %arg8[%mul3A_12, %dma_start3A_17] : memref<10112x128xf32, #tpu.memory_space<vmem_shared>> -> memref<632x128xf32, #tpu.memory_space<vmem_shared>>
      tpu.enqueue_dma source(%dma_start3A_18 : memref<632x128xf32, #tpu.memory_space<vmem_shared>>) target(%dma_start3A_16 : memref<632x128xf32, #tpu.memory_space<hbm>>) target_semaphore(%run_scoped3A : memref<!tpu.dma_semaphore, #tpu.memory_space<semaphore_mem>>)
      %dma_wait3A = arith.constant 0 : i32
      %dma_wait3A_19 = tpu.memref_slice %arg5[%arg0, %mul3A_14, %dma_wait3A] : memref<2x10112x128xf32, #tpu.memory_space<hbm>> -> memref<1x632x128xf32, #tpu.memory_space<hbm>>
      %dma_wait3A_20 = tpu.memref_squeeze %dma_wait3A_19 : memref<1x632x128xf32, #tpu.memory_space<hbm>> -> memref<632x128xf32, #tpu.memory_space<hbm>>
      %dma_wait3A_21 = arith.constant 0 : i32
      %dma_wait3A_22 = tpu.memref_slice %arg8[%mul3A_12, %dma_wait3A_21] : memref<10112x128xf32, #tpu.memory_space<vmem_shared>> -> memref<632x128xf32, #tpu.memory_space<vmem_shared>>
      tpu.wait_dma2 semaphore(%run_scoped3A : memref<!tpu.dma_semaphore, #tpu.memory_space<semaphore_mem>>) src(%dma_wait3A_22 : memref<632x128xf32, #tpu.memory_space<vmem_shared>>) dst(%dma_wait3A_20 : memref<632x128xf32, #tpu.memory_space<hbm>>)
      tpu.yield
    }) : () -> ()
    return
  }
}

#map = affine_map<(d0, d1) -> (0, 0)>
#map1 = affine_map<(d0, d1) -> (0)>
#map2 = affine_map<(d0, d1) -> (0, 0, 0)>
module attributes {stable_mosaic.version = 14 : i64} {
  func.func @_agg_body(%arg0: i32, %arg1: i32, %arg2: memref<10000x128xf32, #tpu.memory_space<hbm>>, %arg3: memref<327680xi32, #tpu.memory_space<hbm>>, %arg4: memref<327680xi32, #tpu.memory_space<hbm>>, %arg5: memref<10112x128xf32, #tpu.memory_space<hbm>>, %arg6: memref<2x10112x128xf32, #tpu.memory_space<hbm>>, %arg7: memref<128xi32, #tpu.memory_space<vmem>>, %arg8: memref<128xi32, #tpu.memory_space<vmem>>, %arg9: memref<128xi32, #tpu.memory_space<vmem>>, %arg10: memref<128xi32, #tpu.memory_space<vmem>>, %arg11: memref<128x128xf32, #tpu.memory_space<vmem>>, %arg12: memref<128x128xf32, #tpu.memory_space<vmem>>, %arg13: memref<10112x128xf32, #tpu.memory_space<vmem_shared>>, %arg14: memref<!tpu.dma_semaphore, #tpu.memory_space<semaphore_mem>>, %arg15: memref<!tpu.dma_semaphore, #tpu.memory_space<semaphore_mem>>, %arg16: memref<!tpu.dma_semaphore, #tpu.memory_space<semaphore_mem>>, %arg17: memref<!tpu.dma_semaphore, #tpu.memory_space<semaphore_mem>>) attributes {dimension_semantics = [#tpu.dimension_semantics<core_parallel>, #tpu.dimension_semantics<subcore_parallel>], iteration_bounds = array<i64: 2, 16>, scalar_prefetch = 0 : i64, scratch_operands = 11 : i64, tpu.core_type = #tpu.core_type<sc_vector_subcore>, window_params = [{transform_indices = #map}, {transform_indices = #map1}, {transform_indices = #map1}, {transform_indices = #map}, {transform_indices = #map2}]} {
    %mul3A = arith.constant 2 : i32
    %mul3A_0 = arith.muli %arg1, %mul3A : i32
    %add3A = arith.addi %mul3A_0, %arg0 : i32
    %mul3A_1 = arith.constant 80 : i32
    %mul3A_2 = arith.muli %add3A, %mul3A_1 : i32
    %mul3A_3 = arith.constant 128 : i32
    %mul3A_4 = arith.muli %mul3A_2, %mul3A_3 : i32
    %mul3A_5 = arith.constant 632 : i32
    %mul3A_6 = arith.muli %arg1, %mul3A_5 : i32
    %mul3A_7 = arith.constant 632 : i32
    %mul3A_8 = arith.muli %arg1, %mul3A_7 : i32
    "tpu.region"() ({
      %run_scoped3A = tpu.sem_alloc : memref<!tpu.dma_semaphore, #tpu.memory_space<semaphore_mem>>
      %dma_start3A = arith.constant 0 : i32
      %dma_start3A_19 = tpu.memref_slice %arg13[%mul3A_8, %dma_start3A] : memref<10112x128xf32, #tpu.memory_space<vmem_shared>> -> memref<632x128xf32, #tpu.memory_space<vmem_shared>>
      %dma_start3A_20 = arith.constant 0 : i32
      %dma_start3A_21 = tpu.memref_slice %arg5[%mul3A_6, %dma_start3A_20] : memref<10112x128xf32, #tpu.memory_space<hbm>> -> memref<632x128xf32, #tpu.memory_space<hbm>>
      tpu.enqueue_dma source(%dma_start3A_21 : memref<632x128xf32, #tpu.memory_space<hbm>>) target(%dma_start3A_19 : memref<632x128xf32, #tpu.memory_space<vmem_shared>>) target_semaphore(%run_scoped3A : memref<!tpu.dma_semaphore, #tpu.memory_space<semaphore_mem>>)
      %dma_wait3A = arith.constant 0 : i32
      %dma_wait3A_22 = tpu.memref_slice %arg13[%mul3A_8, %dma_wait3A] : memref<10112x128xf32, #tpu.memory_space<vmem_shared>> -> memref<632x128xf32, #tpu.memory_space<vmem_shared>>
      %dma_wait3A_23 = arith.constant 0 : i32
      %dma_wait3A_24 = tpu.memref_slice %arg5[%mul3A_6, %dma_wait3A_23] : memref<10112x128xf32, #tpu.memory_space<hbm>> -> memref<632x128xf32, #tpu.memory_space<hbm>>
      tpu.wait_dma2 semaphore(%run_scoped3A : memref<!tpu.dma_semaphore, #tpu.memory_space<semaphore_mem>>) src(%dma_wait3A_24 : memref<632x128xf32, #tpu.memory_space<hbm>>) dst(%dma_wait3A_22 : memref<632x128xf32, #tpu.memory_space<vmem_shared>>)
      tpu.yield
    }) : () -> ()
    %barrier3A = arith.constant 0 : index
    tpu.barrier barrier_id(%barrier3A)
    %scan3A = arith.constant 0 : i32
    %scan3A_9 = arith.constant 0 : i32
    %scan3A_10 = arith.constant 40 : i32
    %scan3A_11 = arith.addi %scan3A_9, %scan3A_10 : i32
    %scan3A_12 = arith.constant 1 : i32
    scf.for %scan3A_19 = %scan3A_9 to %scan3A_11 step %scan3A_12  : i32 {
      %mul3A_20 = arith.constant 2 : i32
      %mul3A_21 = arith.muli %mul3A_20, %scan3A_19 : i32
      %add3A_22 = arith.constant 0 : i32
      %add3A_23 = arith.addi %mul3A_21, %add3A_22 : i32
      %mul3A_24 = arith.constant 128 : i32
      %mul3A_25 = arith.muli %add3A_23, %mul3A_24 : i32
      %add3A_26 = arith.addi %mul3A_4, %mul3A_25 : i32
      %mul3A_27 = arith.constant 2 : i32
      %mul3A_28 = arith.muli %mul3A_27, %scan3A_19 : i32
      %add3A_29 = arith.constant 1 : i32
      %add3A_30 = arith.addi %mul3A_28, %add3A_29 : i32
      %mul3A_31 = arith.constant 128 : i32
      %mul3A_32 = arith.muli %add3A_30, %mul3A_31 : i32
      %add3A_33 = arith.addi %mul3A_4, %mul3A_32 : i32
      "tpu.region"() ({
        %run_scoped3A = tpu.sem_alloc : memref<!tpu.dma_semaphore, #tpu.memory_space<semaphore_mem>>
        %dma_start3A_56 = tpu.memref_slice %arg3[%add3A_26] : memref<327680xi32, #tpu.memory_space<hbm>> -> memref<128xi32, #tpu.memory_space<hbm>>
        %dma_start3A_57 = tpu.memref_slice %arg3[%add3A_26] : memref<327680xi32, #tpu.memory_space<hbm>> -> memref<128xi32, #tpu.memory_space<hbm>>
        tpu.enqueue_dma source(%dma_start3A_57 : memref<128xi32, #tpu.memory_space<hbm>>) target(%arg7 : memref<128xi32, #tpu.memory_space<vmem>>) target_semaphore(%run_scoped3A : memref<!tpu.dma_semaphore, #tpu.memory_space<semaphore_mem>>)
        %dma_wait3A_58 = tpu.memref_slice %arg3[%add3A_26] : memref<327680xi32, #tpu.memory_space<hbm>> -> memref<128xi32, #tpu.memory_space<hbm>>
        %dma_wait3A_59 = tpu.memref_slice %arg3[%add3A_26] : memref<327680xi32, #tpu.memory_space<hbm>> -> memref<128xi32, #tpu.memory_space<hbm>>
        tpu.wait_dma2 semaphore(%run_scoped3A : memref<!tpu.dma_semaphore, #tpu.memory_space<semaphore_mem>>) src(%dma_wait3A_59 : memref<128xi32, #tpu.memory_space<hbm>>) dst(%arg7 : memref<128xi32, #tpu.memory_space<vmem>>)
        tpu.yield
      }) : () -> ()
      "tpu.region"() ({
        %run_scoped3A = tpu.sem_alloc : memref<!tpu.dma_semaphore, #tpu.memory_space<semaphore_mem>>
        %dma_start3A_56 = tpu.memref_slice %arg4[%add3A_26] : memref<327680xi32, #tpu.memory_space<hbm>> -> memref<128xi32, #tpu.memory_space<hbm>>
        %dma_start3A_57 = tpu.memref_slice %arg4[%add3A_26] : memref<327680xi32, #tpu.memory_space<hbm>> -> memref<128xi32, #tpu.memory_space<hbm>>
        tpu.enqueue_dma source(%dma_start3A_57 : memref<128xi32, #tpu.memory_space<hbm>>) target(%arg9 : memref<128xi32, #tpu.memory_space<vmem>>) target_semaphore(%run_scoped3A : memref<!tpu.dma_semaphore, #tpu.memory_space<semaphore_mem>>)
        %dma_wait3A_58 = tpu.memref_slice %arg4[%add3A_26] : memref<327680xi32, #tpu.memory_space<hbm>> -> memref<128xi32, #tpu.memory_space<hbm>>
        %dma_wait3A_59 = tpu.memref_slice %arg4[%add3A_26] : memref<327680xi32, #tpu.memory_space<hbm>> -> memref<128xi32, #tpu.memory_space<hbm>>
        tpu.wait_dma2 semaphore(%run_scoped3A : memref<!tpu.dma_semaphore, #tpu.memory_space<semaphore_mem>>) src(%dma_wait3A_59 : memref<128xi32, #tpu.memory_space<hbm>>) dst(%arg9 : memref<128xi32, #tpu.memory_space<vmem>>)
        tpu.yield
      }) : () -> ()
      %dma_start3A = arith.constant 0 : i32
      %dma_start3A_34 = arith.constant 0 : i32
      %dma_start3A_35 = tpu.memref_slice %arg2[%dma_start3A, %dma_start3A_34] : memref<10000x128xf32, #tpu.memory_space<hbm>> -> memref<10000x128xf32, #tpu.memory_space<hbm>>
      tpu.enqueue_indirect_dma source(%dma_start3A_35 : memref<10000x128xf32, #tpu.memory_space<hbm>>) target(%arg11 : memref<128x128xf32, #tpu.memory_space<vmem>>) offsets(%arg7 : memref<128xi32, #tpu.memory_space<vmem>>) semaphore(%arg14 : memref<!tpu.dma_semaphore, #tpu.memory_space<semaphore_mem>>)
      "tpu.region"() ({
        %run_scoped3A = tpu.sem_alloc : memref<!tpu.dma_semaphore, #tpu.memory_space<semaphore_mem>>
        %dma_start3A_56 = tpu.memref_slice %arg3[%add3A_33] : memref<327680xi32, #tpu.memory_space<hbm>> -> memref<128xi32, #tpu.memory_space<hbm>>
        %dma_start3A_57 = tpu.memref_slice %arg3[%add3A_33] : memref<327680xi32, #tpu.memory_space<hbm>> -> memref<128xi32, #tpu.memory_space<hbm>>
        tpu.enqueue_dma source(%dma_start3A_57 : memref<128xi32, #tpu.memory_space<hbm>>) target(%arg8 : memref<128xi32, #tpu.memory_space<vmem>>) target_semaphore(%run_scoped3A : memref<!tpu.dma_semaphore, #tpu.memory_space<semaphore_mem>>)
        %dma_wait3A_58 = tpu.memref_slice %arg3[%add3A_33] : memref<327680xi32, #tpu.memory_space<hbm>> -> memref<128xi32, #tpu.memory_space<hbm>>
        %dma_wait3A_59 = tpu.memref_slice %arg3[%add3A_33] : memref<327680xi32, #tpu.memory_space<hbm>> -> memref<128xi32, #tpu.memory_space<hbm>>
        tpu.wait_dma2 semaphore(%run_scoped3A : memref<!tpu.dma_semaphore, #tpu.memory_space<semaphore_mem>>) src(%dma_wait3A_59 : memref<128xi32, #tpu.memory_space<hbm>>) dst(%arg8 : memref<128xi32, #tpu.memory_space<vmem>>)
        tpu.yield
      }) : () -> ()
      "tpu.region"() ({
        %run_scoped3A = tpu.sem_alloc : memref<!tpu.dma_semaphore, #tpu.memory_space<semaphore_mem>>
        %dma_start3A_56 = tpu.memref_slice %arg4[%add3A_33] : memref<327680xi32, #tpu.memory_space<hbm>> -> memref<128xi32, #tpu.memory_space<hbm>>
        %dma_start3A_57 = tpu.memref_slice %arg4[%add3A_33] : memref<327680xi32, #tpu.memory_space<hbm>> -> memref<128xi32, #tpu.memory_space<hbm>>
        tpu.enqueue_dma source(%dma_start3A_57 : memref<128xi32, #tpu.memory_space<hbm>>) target(%arg10 : memref<128xi32, #tpu.memory_space<vmem>>) target_semaphore(%run_scoped3A : memref<!tpu.dma_semaphore, #tpu.memory_space<semaphore_mem>>)
        %dma_wait3A_58 = tpu.memref_slice %arg4[%add3A_33] : memref<327680xi32, #tpu.memory_space<hbm>> -> memref<128xi32, #tpu.memory_space<hbm>>
        %dma_wait3A_59 = tpu.memref_slice %arg4[%add3A_33] : memref<327680xi32, #tpu.memory_space<hbm>> -> memref<128xi32, #tpu.memory_space<hbm>>
        tpu.wait_dma2 semaphore(%run_scoped3A : memref<!tpu.dma_semaphore, #tpu.memory_space<semaphore_mem>>) src(%dma_wait3A_59 : memref<128xi32, #tpu.memory_space<hbm>>) dst(%arg10 : memref<128xi32, #tpu.memory_space<vmem>>)
        tpu.yield
      }) : () -> ()
      %dma_start3A_36 = arith.constant 0 : i32
      %dma_start3A_37 = arith.constant 0 : i32
      %dma_start3A_38 = tpu.memref_slice %arg2[%dma_start3A_36, %dma_start3A_37] : memref<10000x128xf32, #tpu.memory_space<hbm>> -> memref<10000x128xf32, #tpu.memory_space<hbm>>
      tpu.enqueue_indirect_dma source(%dma_start3A_38 : memref<10000x128xf32, #tpu.memory_space<hbm>>) target(%arg12 : memref<128x128xf32, #tpu.memory_space<vmem>>) offsets(%arg8 : memref<128xi32, #tpu.memory_space<vmem>>) semaphore(%arg15 : memref<!tpu.dma_semaphore, #tpu.memory_space<semaphore_mem>>)
      %dma_wait3A = arith.constant 0 : i32
      %dma_wait3A_39 = arith.constant 0 : i32
      %dma_wait3A_40 = tpu.memref_slice %arg2[%dma_wait3A, %dma_wait3A_39] : memref<10000x128xf32, #tpu.memory_space<hbm>> -> memref<10000x128xf32, #tpu.memory_space<hbm>>
      tpu.wait_indirect_dma semaphore(%arg14 : memref<!tpu.dma_semaphore, #tpu.memory_space<semaphore_mem>>) src(%dma_wait3A_40 : memref<10000x128xf32, #tpu.memory_space<hbm>>) dst(%arg11 : memref<128x128xf32, #tpu.memory_space<vmem>>)
      %dma_start3A_41 = arith.constant 0 : i32
      %dma_start3A_42 = arith.constant 0 : i32
      %dma_start3A_43 = tpu.memref_slice %arg13[%dma_start3A_41, %dma_start3A_42] : memref<10112x128xf32, #tpu.memory_space<vmem_shared>> -> memref<10112x128xf32, #tpu.memory_space<vmem_shared>>
      tpu.enqueue_indirect_dma source(%arg11 : memref<128x128xf32, #tpu.memory_space<vmem>>) target(%dma_start3A_43 : memref<10112x128xf32, #tpu.memory_space<vmem_shared>>) offsets(%arg9 : memref<128xi32, #tpu.memory_space<vmem>>) semaphore(%arg16 : memref<!tpu.dma_semaphore, #tpu.memory_space<semaphore_mem>>) {add = true}
      %dma_wait3A_44 = arith.constant 0 : i32
      %dma_wait3A_45 = arith.constant 0 : i32
      %dma_wait3A_46 = tpu.memref_slice %arg2[%dma_wait3A_44, %dma_wait3A_45] : memref<10000x128xf32, #tpu.memory_space<hbm>> -> memref<10000x128xf32, #tpu.memory_space<hbm>>
      tpu.wait_indirect_dma semaphore(%arg15 : memref<!tpu.dma_semaphore, #tpu.memory_space<semaphore_mem>>) src(%dma_wait3A_46 : memref<10000x128xf32, #tpu.memory_space<hbm>>) dst(%arg12 : memref<128x128xf32, #tpu.memory_space<vmem>>)
      %dma_start3A_47 = arith.constant 0 : i32
      %dma_start3A_48 = arith.constant 0 : i32
      %dma_start3A_49 = tpu.memref_slice %arg13[%dma_start3A_47, %dma_start3A_48] : memref<10112x128xf32, #tpu.memory_space<vmem_shared>> -> memref<10112x128xf32, #tpu.memory_space<vmem_shared>>
      tpu.enqueue_indirect_dma source(%arg12 : memref<128x128xf32, #tpu.memory_space<vmem>>) target(%dma_start3A_49 : memref<10112x128xf32, #tpu.memory_space<vmem_shared>>) offsets(%arg10 : memref<128xi32, #tpu.memory_space<vmem>>) semaphore(%arg17 : memref<!tpu.dma_semaphore, #tpu.memory_space<semaphore_mem>>) {add = true}
      %dma_wait3A_50 = arith.constant 0 : i32
      %dma_wait3A_51 = arith.constant 0 : i32
      %dma_wait3A_52 = tpu.memref_slice %arg13[%dma_wait3A_50, %dma_wait3A_51] : memref<10112x128xf32, #tpu.memory_space<vmem_shared>> -> memref<10112x128xf32, #tpu.memory_space<vmem_shared>>
      tpu.wait_indirect_dma semaphore(%arg16 : memref<!tpu.dma_semaphore, #tpu.memory_space<semaphore_mem>>) src(%arg11 : memref<128x128xf32, #tpu.memory_space<vmem>>) dst(%dma_wait3A_52 : memref<10112x128xf32, #tpu.memory_space<vmem_shared>>)
      %dma_wait3A_53 = arith.constant 0 : i32
      %dma_wait3A_54 = arith.constant 0 : i32
      %dma_wait3A_55 = tpu.memref_slice %arg13[%dma_wait3A_53, %dma_wait3A_54] : memref<10112x128xf32, #tpu.memory_space<vmem_shared>> -> memref<10112x128xf32, #tpu.memory_space<vmem_shared>>
      tpu.wait_indirect_dma semaphore(%arg17 : memref<!tpu.dma_semaphore, #tpu.memory_space<semaphore_mem>>) src(%arg12 : memref<128x128xf32, #tpu.memory_space<vmem>>) dst(%dma_wait3A_55 : memref<10112x128xf32, #tpu.memory_space<vmem_shared>>)
    }
    %scan3A_13 = arith.constant 40 : i32
    %barrier3A_14 = arith.constant 0 : index
    tpu.barrier barrier_id(%barrier3A_14)
    %mul3A_15 = arith.constant 632 : i32
    %mul3A_16 = arith.muli %arg1, %mul3A_15 : i32
    %mul3A_17 = arith.constant 632 : i32
    %mul3A_18 = arith.muli %arg1, %mul3A_17 : i32
    "tpu.region"() ({
      %run_scoped3A = tpu.sem_alloc : memref<!tpu.dma_semaphore, #tpu.memory_space<semaphore_mem>>
      %dma_start3A = arith.constant 0 : i32
      %dma_start3A_19 = tpu.memref_slice %arg6[%arg0, %mul3A_18, %dma_start3A] : memref<2x10112x128xf32, #tpu.memory_space<hbm>> -> memref<1x632x128xf32, #tpu.memory_space<hbm>>
      %dma_start3A_20 = tpu.memref_squeeze %dma_start3A_19 : memref<1x632x128xf32, #tpu.memory_space<hbm>> -> memref<632x128xf32, #tpu.memory_space<hbm>>
      %dma_start3A_21 = arith.constant 0 : i32
      %dma_start3A_22 = tpu.memref_slice %arg13[%mul3A_16, %dma_start3A_21] : memref<10112x128xf32, #tpu.memory_space<vmem_shared>> -> memref<632x128xf32, #tpu.memory_space<vmem_shared>>
      tpu.enqueue_dma source(%dma_start3A_22 : memref<632x128xf32, #tpu.memory_space<vmem_shared>>) target(%dma_start3A_20 : memref<632x128xf32, #tpu.memory_space<hbm>>) target_semaphore(%run_scoped3A : memref<!tpu.dma_semaphore, #tpu.memory_space<semaphore_mem>>)
      %dma_wait3A = arith.constant 0 : i32
      %dma_wait3A_23 = tpu.memref_slice %arg6[%arg0, %mul3A_18, %dma_wait3A] : memref<2x10112x128xf32, #tpu.memory_space<hbm>> -> memref<1x632x128xf32, #tpu.memory_space<hbm>>
      %dma_wait3A_24 = tpu.memref_squeeze %dma_wait3A_23 : memref<1x632x128xf32, #tpu.memory_space<hbm>> -> memref<632x128xf32, #tpu.memory_space<hbm>>
      %dma_wait3A_25 = arith.constant 0 : i32
      %dma_wait3A_26 = tpu.memref_slice %arg13[%mul3A_16, %dma_wait3A_25] : memref<10112x128xf32, #tpu.memory_space<vmem_shared>> -> memref<632x128xf32, #tpu.memory_space<vmem_shared>>
      tpu.wait_dma2 semaphore(%run_scoped3A : memref<!tpu.dma_semaphore, #tpu.memory_space<semaphore_mem>>) src(%dma_wait3A_26 : memref<632x128xf32, #tpu.memory_space<vmem_shared>>) dst(%dma_wait3A_24 : memref<632x128xf32, #tpu.memory_space<hbm>>)
      tpu.yield
    }) : () -> ()
    return
  }
}

#map = affine_map<(d0, d1) -> (0, 0)>
#map1 = affine_map<(d0, d1) -> (0)>
#map2 = affine_map<(d0, d1) -> (0, 0, 0)>
module attributes {stable_mosaic.version = 14 : i64} {
  func.func @_agg_body(%arg0: i32, %arg1: i32, %arg2: memref<10000x128xf32, #tpu.memory_space<hbm>>, %arg3: memref<327680xi32, #tpu.memory_space<hbm>>, %arg4: memref<327680xi32, #tpu.memory_space<hbm>>, %arg5: memref<10112x128xf32, #tpu.memory_space<hbm>>, %arg6: memref<2x10112x128xf32, #tpu.memory_space<hbm>>, %arg7: memref<128xi32, #tpu.memory_space<vmem>>, %arg8: memref<128xi32, #tpu.memory_space<vmem>>, %arg9: memref<128xi32, #tpu.memory_space<vmem>>, %arg10: memref<128xi32, #tpu.memory_space<vmem>>, %arg11: memref<128x128xf32, #tpu.memory_space<vmem>>, %arg12: memref<128x128xf32, #tpu.memory_space<vmem>>, %arg13: memref<10112x128xf32, #tpu.memory_space<vmem_shared>>, %arg14: memref<!tpu.dma_semaphore, #tpu.memory_space<semaphore_mem>>, %arg15: memref<!tpu.dma_semaphore, #tpu.memory_space<semaphore_mem>>, %arg16: memref<!tpu.dma_semaphore, #tpu.memory_space<semaphore_mem>>, %arg17: memref<!tpu.dma_semaphore, #tpu.memory_space<semaphore_mem>>) attributes {dimension_semantics = [#tpu.dimension_semantics<core_parallel>, #tpu.dimension_semantics<subcore_parallel>], iteration_bounds = array<i64: 2, 16>, scalar_prefetch = 0 : i64, scratch_operands = 11 : i64, tpu.core_type = #tpu.core_type<sc_vector_subcore>, window_params = [{transform_indices = #map}, {transform_indices = #map1}, {transform_indices = #map1}, {transform_indices = #map}, {transform_indices = #map2}]} {
    %mul3A = arith.constant 2 : i32
    %mul3A_0 = arith.muli %arg1, %mul3A : i32
    %add3A = arith.addi %mul3A_0, %arg0 : i32
    %mul3A_1 = arith.constant 80 : i32
    %mul3A_2 = arith.muli %add3A, %mul3A_1 : i32
    %mul3A_3 = arith.constant 128 : i32
    %mul3A_4 = arith.muli %mul3A_2, %mul3A_3 : i32
    %mul3A_5 = arith.constant 632 : i32
    %mul3A_6 = arith.muli %arg1, %mul3A_5 : i32
    %mul3A_7 = arith.constant 632 : i32
    %mul3A_8 = arith.muli %arg1, %mul3A_7 : i32
    "tpu.region"() ({
      %run_scoped3A = tpu.sem_alloc : memref<!tpu.dma_semaphore, #tpu.memory_space<semaphore_mem>>
      %dma_start3A = arith.constant 0 : i32
      %dma_start3A_19 = tpu.memref_slice %arg13[%mul3A_8, %dma_start3A] : memref<10112x128xf32, #tpu.memory_space<vmem_shared>> -> memref<632x128xf32, #tpu.memory_space<vmem_shared>>
      %dma_start3A_20 = arith.constant 0 : i32
      %dma_start3A_21 = tpu.memref_slice %arg5[%mul3A_6, %dma_start3A_20] : memref<10112x128xf32, #tpu.memory_space<hbm>> -> memref<632x128xf32, #tpu.memory_space<hbm>>
      tpu.enqueue_dma source(%dma_start3A_21 : memref<632x128xf32, #tpu.memory_space<hbm>>) target(%dma_start3A_19 : memref<632x128xf32, #tpu.memory_space<vmem_shared>>) target_semaphore(%run_scoped3A : memref<!tpu.dma_semaphore, #tpu.memory_space<semaphore_mem>>)
      %dma_wait3A = arith.constant 0 : i32
      %dma_wait3A_22 = tpu.memref_slice %arg13[%mul3A_8, %dma_wait3A] : memref<10112x128xf32, #tpu.memory_space<vmem_shared>> -> memref<632x128xf32, #tpu.memory_space<vmem_shared>>
      %dma_wait3A_23 = arith.constant 0 : i32
      %dma_wait3A_24 = tpu.memref_slice %arg5[%mul3A_6, %dma_wait3A_23] : memref<10112x128xf32, #tpu.memory_space<hbm>> -> memref<632x128xf32, #tpu.memory_space<hbm>>
      tpu.wait_dma2 semaphore(%run_scoped3A : memref<!tpu.dma_semaphore, #tpu.memory_space<semaphore_mem>>) src(%dma_wait3A_24 : memref<632x128xf32, #tpu.memory_space<hbm>>) dst(%dma_wait3A_22 : memref<632x128xf32, #tpu.memory_space<vmem_shared>>)
      tpu.yield
    }) : () -> ()
    %barrier3A = arith.constant 0 : index
    tpu.barrier barrier_id(%barrier3A)
    %scan3A = arith.constant 0 : i32
    %scan3A_9 = arith.constant 0 : i32
    %scan3A_10 = arith.constant 40 : i32
    %scan3A_11 = arith.addi %scan3A_9, %scan3A_10 : i32
    %scan3A_12 = arith.constant 1 : i32
    scf.for %scan3A_19 = %scan3A_9 to %scan3A_11 step %scan3A_12  : i32 {
      %mul3A_20 = arith.constant 2 : i32
      %mul3A_21 = arith.muli %mul3A_20, %scan3A_19 : i32
      %add3A_22 = arith.constant 0 : i32
      %add3A_23 = arith.addi %mul3A_21, %add3A_22 : i32
      %mul3A_24 = arith.constant 128 : i32
      %mul3A_25 = arith.muli %add3A_23, %mul3A_24 : i32
      %add3A_26 = arith.addi %mul3A_4, %mul3A_25 : i32
      %mul3A_27 = arith.constant 2 : i32
      %mul3A_28 = arith.muli %mul3A_27, %scan3A_19 : i32
      %add3A_29 = arith.constant 1 : i32
      %add3A_30 = arith.addi %mul3A_28, %add3A_29 : i32
      %mul3A_31 = arith.constant 128 : i32
      %mul3A_32 = arith.muli %add3A_30, %mul3A_31 : i32
      %add3A_33 = arith.addi %mul3A_4, %mul3A_32 : i32
      "tpu.region"() ({
        %run_scoped3A = tpu.sem_alloc : memref<!tpu.dma_semaphore, #tpu.memory_space<semaphore_mem>>
        %dma_start3A_56 = tpu.memref_slice %arg3[%add3A_26] : memref<327680xi32, #tpu.memory_space<hbm>> -> memref<128xi32, #tpu.memory_space<hbm>>
        %dma_start3A_57 = tpu.memref_slice %arg3[%add3A_26] : memref<327680xi32, #tpu.memory_space<hbm>> -> memref<128xi32, #tpu.memory_space<hbm>>
        tpu.enqueue_dma source(%dma_start3A_57 : memref<128xi32, #tpu.memory_space<hbm>>) target(%arg7 : memref<128xi32, #tpu.memory_space<vmem>>) target_semaphore(%run_scoped3A : memref<!tpu.dma_semaphore, #tpu.memory_space<semaphore_mem>>)
        %dma_wait3A_58 = tpu.memref_slice %arg3[%add3A_26] : memref<327680xi32, #tpu.memory_space<hbm>> -> memref<128xi32, #tpu.memory_space<hbm>>
        %dma_wait3A_59 = tpu.memref_slice %arg3[%add3A_26] : memref<327680xi32, #tpu.memory_space<hbm>> -> memref<128xi32, #tpu.memory_space<hbm>>
        tpu.wait_dma2 semaphore(%run_scoped3A : memref<!tpu.dma_semaphore, #tpu.memory_space<semaphore_mem>>) src(%dma_wait3A_59 : memref<128xi32, #tpu.memory_space<hbm>>) dst(%arg7 : memref<128xi32, #tpu.memory_space<vmem>>)
        tpu.yield
      }) : () -> ()
      "tpu.region"() ({
        %run_scoped3A = tpu.sem_alloc : memref<!tpu.dma_semaphore, #tpu.memory_space<semaphore_mem>>
        %dma_start3A_56 = tpu.memref_slice %arg4[%add3A_26] : memref<327680xi32, #tpu.memory_space<hbm>> -> memref<128xi32, #tpu.memory_space<hbm>>
        %dma_start3A_57 = tpu.memref_slice %arg4[%add3A_26] : memref<327680xi32, #tpu.memory_space<hbm>> -> memref<128xi32, #tpu.memory_space<hbm>>
        tpu.enqueue_dma source(%dma_start3A_57 : memref<128xi32, #tpu.memory_space<hbm>>) target(%arg9 : memref<128xi32, #tpu.memory_space<vmem>>) target_semaphore(%run_scoped3A : memref<!tpu.dma_semaphore, #tpu.memory_space<semaphore_mem>>)
        %dma_wait3A_58 = tpu.memref_slice %arg4[%add3A_26] : memref<327680xi32, #tpu.memory_space<hbm>> -> memref<128xi32, #tpu.memory_space<hbm>>
        %dma_wait3A_59 = tpu.memref_slice %arg4[%add3A_26] : memref<327680xi32, #tpu.memory_space<hbm>> -> memref<128xi32, #tpu.memory_space<hbm>>
        tpu.wait_dma2 semaphore(%run_scoped3A : memref<!tpu.dma_semaphore, #tpu.memory_space<semaphore_mem>>) src(%dma_wait3A_59 : memref<128xi32, #tpu.memory_space<hbm>>) dst(%arg9 : memref<128xi32, #tpu.memory_space<vmem>>)
        tpu.yield
      }) : () -> ()
      %dma_start3A = arith.constant 0 : i32
      %dma_start3A_34 = arith.constant 0 : i32
      %dma_start3A_35 = tpu.memref_slice %arg2[%dma_start3A, %dma_start3A_34] : memref<10000x128xf32, #tpu.memory_space<hbm>> -> memref<10000x128xf32, #tpu.memory_space<hbm>>
      tpu.enqueue_indirect_dma source(%dma_start3A_35 : memref<10000x128xf32, #tpu.memory_space<hbm>>) target(%arg11 : memref<128x128xf32, #tpu.memory_space<vmem>>) offsets(%arg7 : memref<128xi32, #tpu.memory_space<vmem>>) semaphore(%arg14 : memref<!tpu.dma_semaphore, #tpu.memory_space<semaphore_mem>>)
      "tpu.region"() ({
        %run_scoped3A = tpu.sem_alloc : memref<!tpu.dma_semaphore, #tpu.memory_space<semaphore_mem>>
        %dma_start3A_56 = tpu.memref_slice %arg3[%add3A_33] : memref<327680xi32, #tpu.memory_space<hbm>> -> memref<128xi32, #tpu.memory_space<hbm>>
        %dma_start3A_57 = tpu.memref_slice %arg3[%add3A_33] : memref<327680xi32, #tpu.memory_space<hbm>> -> memref<128xi32, #tpu.memory_space<hbm>>
        tpu.enqueue_dma source(%dma_start3A_57 : memref<128xi32, #tpu.memory_space<hbm>>) target(%arg8 : memref<128xi32, #tpu.memory_space<vmem>>) target_semaphore(%run_scoped3A : memref<!tpu.dma_semaphore, #tpu.memory_space<semaphore_mem>>)
        %dma_wait3A_58 = tpu.memref_slice %arg3[%add3A_33] : memref<327680xi32, #tpu.memory_space<hbm>> -> memref<128xi32, #tpu.memory_space<hbm>>
        %dma_wait3A_59 = tpu.memref_slice %arg3[%add3A_33] : memref<327680xi32, #tpu.memory_space<hbm>> -> memref<128xi32, #tpu.memory_space<hbm>>
        tpu.wait_dma2 semaphore(%run_scoped3A : memref<!tpu.dma_semaphore, #tpu.memory_space<semaphore_mem>>) src(%dma_wait3A_59 : memref<128xi32, #tpu.memory_space<hbm>>) dst(%arg8 : memref<128xi32, #tpu.memory_space<vmem>>)
        tpu.yield
      }) : () -> ()
      "tpu.region"() ({
        %run_scoped3A = tpu.sem_alloc : memref<!tpu.dma_semaphore, #tpu.memory_space<semaphore_mem>>
        %dma_start3A_56 = tpu.memref_slice %arg4[%add3A_33] : memref<327680xi32, #tpu.memory_space<hbm>> -> memref<128xi32, #tpu.memory_space<hbm>>
        %dma_start3A_57 = tpu.memref_slice %arg4[%add3A_33] : memref<327680xi32, #tpu.memory_space<hbm>> -> memref<128xi32, #tpu.memory_space<hbm>>
        tpu.enqueue_dma source(%dma_start3A_57 : memref<128xi32, #tpu.memory_space<hbm>>) target(%arg10 : memref<128xi32, #tpu.memory_space<vmem>>) target_semaphore(%run_scoped3A : memref<!tpu.dma_semaphore, #tpu.memory_space<semaphore_mem>>)
        %dma_wait3A_58 = tpu.memref_slice %arg4[%add3A_33] : memref<327680xi32, #tpu.memory_space<hbm>> -> memref<128xi32, #tpu.memory_space<hbm>>
        %dma_wait3A_59 = tpu.memref_slice %arg4[%add3A_33] : memref<327680xi32, #tpu.memory_space<hbm>> -> memref<128xi32, #tpu.memory_space<hbm>>
        tpu.wait_dma2 semaphore(%run_scoped3A : memref<!tpu.dma_semaphore, #tpu.memory_space<semaphore_mem>>) src(%dma_wait3A_59 : memref<128xi32, #tpu.memory_space<hbm>>) dst(%arg10 : memref<128xi32, #tpu.memory_space<vmem>>)
        tpu.yield
      }) : () -> ()
      %dma_start3A_36 = arith.constant 0 : i32
      %dma_start3A_37 = arith.constant 0 : i32
      %dma_start3A_38 = tpu.memref_slice %arg2[%dma_start3A_36, %dma_start3A_37] : memref<10000x128xf32, #tpu.memory_space<hbm>> -> memref<10000x128xf32, #tpu.memory_space<hbm>>
      tpu.enqueue_indirect_dma source(%dma_start3A_38 : memref<10000x128xf32, #tpu.memory_space<hbm>>) target(%arg12 : memref<128x128xf32, #tpu.memory_space<vmem>>) offsets(%arg8 : memref<128xi32, #tpu.memory_space<vmem>>) semaphore(%arg15 : memref<!tpu.dma_semaphore, #tpu.memory_space<semaphore_mem>>)
      %dma_wait3A = arith.constant 0 : i32
      %dma_wait3A_39 = arith.constant 0 : i32
      %dma_wait3A_40 = tpu.memref_slice %arg2[%dma_wait3A, %dma_wait3A_39] : memref<10000x128xf32, #tpu.memory_space<hbm>> -> memref<10000x128xf32, #tpu.memory_space<hbm>>
      tpu.wait_indirect_dma semaphore(%arg14 : memref<!tpu.dma_semaphore, #tpu.memory_space<semaphore_mem>>) src(%dma_wait3A_40 : memref<10000x128xf32, #tpu.memory_space<hbm>>) dst(%arg11 : memref<128x128xf32, #tpu.memory_space<vmem>>)
      %dma_start3A_41 = arith.constant 0 : i32
      %dma_start3A_42 = arith.constant 0 : i32
      %dma_start3A_43 = tpu.memref_slice %arg13[%dma_start3A_41, %dma_start3A_42] : memref<10112x128xf32, #tpu.memory_space<vmem_shared>> -> memref<10112x128xf32, #tpu.memory_space<vmem_shared>>
      tpu.enqueue_indirect_dma source(%arg11 : memref<128x128xf32, #tpu.memory_space<vmem>>) target(%dma_start3A_43 : memref<10112x128xf32, #tpu.memory_space<vmem_shared>>) offsets(%arg9 : memref<128xi32, #tpu.memory_space<vmem>>) semaphore(%arg16 : memref<!tpu.dma_semaphore, #tpu.memory_space<semaphore_mem>>) {add = true}
      %dma_wait3A_44 = arith.constant 0 : i32
      %dma_wait3A_45 = arith.constant 0 : i32
      %dma_wait3A_46 = tpu.memref_slice %arg2[%dma_wait3A_44, %dma_wait3A_45] : memref<10000x128xf32, #tpu.memory_space<hbm>> -> memref<10000x128xf32, #tpu.memory_space<hbm>>
      tpu.wait_indirect_dma semaphore(%arg15 : memref<!tpu.dma_semaphore, #tpu.memory_space<semaphore_mem>>) src(%dma_wait3A_46 : memref<10000x128xf32, #tpu.memory_space<hbm>>) dst(%arg12 : memref<128x128xf32, #tpu.memory_space<vmem>>)
      %dma_start3A_47 = arith.constant 0 : i32
      %dma_start3A_48 = arith.constant 0 : i32
      %dma_start3A_49 = tpu.memref_slice %arg13[%dma_start3A_47, %dma_start3A_48] : memref<10112x128xf32, #tpu.memory_space<vmem_shared>> -> memref<10112x128xf32, #tpu.memory_space<vmem_shared>>
      tpu.enqueue_indirect_dma source(%arg12 : memref<128x128xf32, #tpu.memory_space<vmem>>) target(%dma_start3A_49 : memref<10112x128xf32, #tpu.memory_space<vmem_shared>>) offsets(%arg10 : memref<128xi32, #tpu.memory_space<vmem>>) semaphore(%arg17 : memref<!tpu.dma_semaphore, #tpu.memory_space<semaphore_mem>>) {add = true}
      %dma_wait3A_50 = arith.constant 0 : i32
      %dma_wait3A_51 = arith.constant 0 : i32
      %dma_wait3A_52 = tpu.memref_slice %arg13[%dma_wait3A_50, %dma_wait3A_51] : memref<10112x128xf32, #tpu.memory_space<vmem_shared>> -> memref<10112x128xf32, #tpu.memory_space<vmem_shared>>
      tpu.wait_indirect_dma semaphore(%arg16 : memref<!tpu.dma_semaphore, #tpu.memory_space<semaphore_mem>>) src(%arg11 : memref<128x128xf32, #tpu.memory_space<vmem>>) dst(%dma_wait3A_52 : memref<10112x128xf32, #tpu.memory_space<vmem_shared>>)
      %dma_wait3A_53 = arith.constant 0 : i32
      %dma_wait3A_54 = arith.constant 0 : i32
      %dma_wait3A_55 = tpu.memref_slice %arg13[%dma_wait3A_53, %dma_wait3A_54] : memref<10112x128xf32, #tpu.memory_space<vmem_shared>> -> memref<10112x128xf32, #tpu.memory_space<vmem_shared>>
      tpu.wait_indirect_dma semaphore(%arg17 : memref<!tpu.dma_semaphore, #tpu.memory_space<semaphore_mem>>) src(%arg12 : memref<128x128xf32, #tpu.memory_space<vmem>>) dst(%dma_wait3A_55 : memref<10112x128xf32, #tpu.memory_space<vmem_shared>>)
    }
    %scan3A_13 = arith.constant 40 : i32
    %barrier3A_14 = arith.constant 0 : index
    tpu.barrier barrier_id(%barrier3A_14)
    %mul3A_15 = arith.constant 632 : i32
    %mul3A_16 = arith.muli %arg1, %mul3A_15 : i32
    %mul3A_17 = arith.constant 632 : i32
    %mul3A_18 = arith.muli %arg1, %mul3A_17 : i32
    "tpu.region"() ({
      %run_scoped3A = tpu.sem_alloc : memref<!tpu.dma_semaphore, #tpu.memory_space<semaphore_mem>>
      %dma_start3A = arith.constant 0 : i32
      %dma_start3A_19 = tpu.memref_slice %arg6[%arg0, %mul3A_18, %dma_start3A] : memref<2x10112x128xf32, #tpu.memory_space<hbm>> -> memref<1x632x128xf32, #tpu.memory_space<hbm>>
      %dma_start3A_20 = tpu.memref_squeeze %dma_start3A_19 : memref<1x632x128xf32, #tpu.memory_space<hbm>> -> memref<632x128xf32, #tpu.memory_space<hbm>>
      %dma_start3A_21 = arith.constant 0 : i32
      %dma_start3A_22 = tpu.memref_slice %arg13[%mul3A_16, %dma_start3A_21] : memref<10112x128xf32, #tpu.memory_space<vmem_shared>> -> memref<632x128xf32, #tpu.memory_space<vmem_shared>>
      tpu.enqueue_dma source(%dma_start3A_22 : memref<632x128xf32, #tpu.memory_space<vmem_shared>>) target(%dma_start3A_20 : memref<632x128xf32, #tpu.memory_space<hbm>>) target_semaphore(%run_scoped3A : memref<!tpu.dma_semaphore, #tpu.memory_space<semaphore_mem>>)
      %dma_wait3A = arith.constant 0 : i32
      %dma_wait3A_23 = tpu.memref_slice %arg6[%arg0, %mul3A_18, %dma_wait3A] : memref<2x10112x128xf32, #tpu.memory_space<hbm>> -> memref<1x632x128xf32, #tpu.memory_space<hbm>>
      %dma_wait3A_24 = tpu.memref_squeeze %dma_wait3A_23 : memref<1x632x128xf32, #tpu.memory_space<hbm>> -> memref<632x128xf32, #tpu.memory_space<hbm>>
      %dma_wait3A_25 = arith.constant 0 : i32
      %dma_wait3A_26 = tpu.memref_slice %arg13[%mul3A_16, %dma_wait3A_25] : memref<10112x128xf32, #tpu.memory_space<vmem_shared>> -> memref<632x128xf32, #tpu.memory_space<vmem_shared>>
      tpu.wait_dma2 semaphore(%run_scoped3A : memref<!tpu.dma_semaphore, #tpu.memory_space<semaphore_mem>>) src(%dma_wait3A_26 : memref<632x128xf32, #tpu.memory_space<vmem_shared>>) dst(%dma_wait3A_24 : memref<632x128xf32, #tpu.memory_space<hbm>>)
      tpu.yield
    }) : () -> ()
    return
  }
}

#map = affine_map<(d0, d1) -> (0, 0)>
#map1 = affine_map<(d0, d1) -> (0)>
#map2 = affine_map<(d0, d1) -> (0, 0, 0)>
module attributes {stable_mosaic.version = 14 : i64} {
  func.func @_agg_body(%arg0: i32, %arg1: i32, %arg2: memref<10000x128xf32, #tpu.memory_space<hbm>>, %arg3: memref<327680xi32, #tpu.memory_space<hbm>>, %arg4: memref<327680xi32, #tpu.memory_space<hbm>>, %arg5: memref<10112x128xf32, #tpu.memory_space<hbm>>, %arg6: memref<2x10112x128xf32, #tpu.memory_space<hbm>>, %arg7: memref<128xi32, #tpu.memory_space<vmem>>, %arg8: memref<128xi32, #tpu.memory_space<vmem>>, %arg9: memref<128xi32, #tpu.memory_space<vmem>>, %arg10: memref<128xi32, #tpu.memory_space<vmem>>, %arg11: memref<128x128xf32, #tpu.memory_space<vmem>>, %arg12: memref<128x128xf32, #tpu.memory_space<vmem>>, %arg13: memref<10112x128xf32, #tpu.memory_space<vmem_shared>>, %arg14: memref<!tpu.dma_semaphore, #tpu.memory_space<semaphore_mem>>, %arg15: memref<!tpu.dma_semaphore, #tpu.memory_space<semaphore_mem>>, %arg16: memref<!tpu.dma_semaphore, #tpu.memory_space<semaphore_mem>>, %arg17: memref<!tpu.dma_semaphore, #tpu.memory_space<semaphore_mem>>) attributes {dimension_semantics = [#tpu.dimension_semantics<core_parallel>, #tpu.dimension_semantics<subcore_parallel>], iteration_bounds = array<i64: 2, 16>, scalar_prefetch = 0 : i64, scratch_operands = 11 : i64, tpu.core_type = #tpu.core_type<sc_vector_subcore>, window_params = [{transform_indices = #map}, {transform_indices = #map1}, {transform_indices = #map1}, {transform_indices = #map}, {transform_indices = #map2}]} {
    %mul3A = arith.constant 2 : i32
    %mul3A_0 = arith.muli %arg1, %mul3A : i32
    %add3A = arith.addi %mul3A_0, %arg0 : i32
    %mul3A_1 = arith.constant 80 : i32
    %mul3A_2 = arith.muli %add3A, %mul3A_1 : i32
    %mul3A_3 = arith.constant 128 : i32
    %mul3A_4 = arith.muli %mul3A_2, %mul3A_3 : i32
    %mul3A_5 = arith.constant 632 : i32
    %mul3A_6 = arith.muli %arg1, %mul3A_5 : i32
    %mul3A_7 = arith.constant 632 : i32
    %mul3A_8 = arith.muli %arg1, %mul3A_7 : i32
    "tpu.region"() ({
      %run_scoped3A = tpu.sem_alloc : memref<!tpu.dma_semaphore, #tpu.memory_space<semaphore_mem>>
      %dma_start3A = arith.constant 0 : i32
      %dma_start3A_19 = tpu.memref_slice %arg13[%mul3A_8, %dma_start3A] : memref<10112x128xf32, #tpu.memory_space<vmem_shared>> -> memref<632x128xf32, #tpu.memory_space<vmem_shared>>
      %dma_start3A_20 = arith.constant 0 : i32
      %dma_start3A_21 = tpu.memref_slice %arg5[%mul3A_6, %dma_start3A_20] : memref<10112x128xf32, #tpu.memory_space<hbm>> -> memref<632x128xf32, #tpu.memory_space<hbm>>
      tpu.enqueue_dma source(%dma_start3A_21 : memref<632x128xf32, #tpu.memory_space<hbm>>) target(%dma_start3A_19 : memref<632x128xf32, #tpu.memory_space<vmem_shared>>) target_semaphore(%run_scoped3A : memref<!tpu.dma_semaphore, #tpu.memory_space<semaphore_mem>>)
      %dma_wait3A = arith.constant 0 : i32
      %dma_wait3A_22 = tpu.memref_slice %arg13[%mul3A_8, %dma_wait3A] : memref<10112x128xf32, #tpu.memory_space<vmem_shared>> -> memref<632x128xf32, #tpu.memory_space<vmem_shared>>
      %dma_wait3A_23 = arith.constant 0 : i32
      %dma_wait3A_24 = tpu.memref_slice %arg5[%mul3A_6, %dma_wait3A_23] : memref<10112x128xf32, #tpu.memory_space<hbm>> -> memref<632x128xf32, #tpu.memory_space<hbm>>
      tpu.wait_dma2 semaphore(%run_scoped3A : memref<!tpu.dma_semaphore, #tpu.memory_space<semaphore_mem>>) src(%dma_wait3A_24 : memref<632x128xf32, #tpu.memory_space<hbm>>) dst(%dma_wait3A_22 : memref<632x128xf32, #tpu.memory_space<vmem_shared>>)
      tpu.yield
    }) : () -> ()
    %barrier3A = arith.constant 0 : index
    tpu.barrier barrier_id(%barrier3A)
    %scan3A = arith.constant 0 : i32
    %scan3A_9 = arith.constant 0 : i32
    %scan3A_10 = arith.constant 40 : i32
    %scan3A_11 = arith.addi %scan3A_9, %scan3A_10 : i32
    %scan3A_12 = arith.constant 1 : i32
    scf.for %scan3A_19 = %scan3A_9 to %scan3A_11 step %scan3A_12  : i32 {
      %mul3A_20 = arith.constant 2 : i32
      %mul3A_21 = arith.muli %mul3A_20, %scan3A_19 : i32
      %add3A_22 = arith.constant 0 : i32
      %add3A_23 = arith.addi %mul3A_21, %add3A_22 : i32
      %mul3A_24 = arith.constant 128 : i32
      %mul3A_25 = arith.muli %add3A_23, %mul3A_24 : i32
      %add3A_26 = arith.addi %mul3A_4, %mul3A_25 : i32
      %mul3A_27 = arith.constant 2 : i32
      %mul3A_28 = arith.muli %mul3A_27, %scan3A_19 : i32
      %add3A_29 = arith.constant 1 : i32
      %add3A_30 = arith.addi %mul3A_28, %add3A_29 : i32
      %mul3A_31 = arith.constant 128 : i32
      %mul3A_32 = arith.muli %add3A_30, %mul3A_31 : i32
      %add3A_33 = arith.addi %mul3A_4, %mul3A_32 : i32
      "tpu.region"() ({
        %run_scoped3A = tpu.sem_alloc : memref<!tpu.dma_semaphore, #tpu.memory_space<semaphore_mem>>
        %dma_start3A_56 = tpu.memref_slice %arg3[%add3A_26] : memref<327680xi32, #tpu.memory_space<hbm>> -> memref<128xi32, #tpu.memory_space<hbm>>
        %dma_start3A_57 = tpu.memref_slice %arg3[%add3A_26] : memref<327680xi32, #tpu.memory_space<hbm>> -> memref<128xi32, #tpu.memory_space<hbm>>
        tpu.enqueue_dma source(%dma_start3A_57 : memref<128xi32, #tpu.memory_space<hbm>>) target(%arg7 : memref<128xi32, #tpu.memory_space<vmem>>) target_semaphore(%run_scoped3A : memref<!tpu.dma_semaphore, #tpu.memory_space<semaphore_mem>>)
        %dma_wait3A_58 = tpu.memref_slice %arg3[%add3A_26] : memref<327680xi32, #tpu.memory_space<hbm>> -> memref<128xi32, #tpu.memory_space<hbm>>
        %dma_wait3A_59 = tpu.memref_slice %arg3[%add3A_26] : memref<327680xi32, #tpu.memory_space<hbm>> -> memref<128xi32, #tpu.memory_space<hbm>>
        tpu.wait_dma2 semaphore(%run_scoped3A : memref<!tpu.dma_semaphore, #tpu.memory_space<semaphore_mem>>) src(%dma_wait3A_59 : memref<128xi32, #tpu.memory_space<hbm>>) dst(%arg7 : memref<128xi32, #tpu.memory_space<vmem>>)
        tpu.yield
      }) : () -> ()
      "tpu.region"() ({
        %run_scoped3A = tpu.sem_alloc : memref<!tpu.dma_semaphore, #tpu.memory_space<semaphore_mem>>
        %dma_start3A_56 = tpu.memref_slice %arg4[%add3A_26] : memref<327680xi32, #tpu.memory_space<hbm>> -> memref<128xi32, #tpu.memory_space<hbm>>
        %dma_start3A_57 = tpu.memref_slice %arg4[%add3A_26] : memref<327680xi32, #tpu.memory_space<hbm>> -> memref<128xi32, #tpu.memory_space<hbm>>
        tpu.enqueue_dma source(%dma_start3A_57 : memref<128xi32, #tpu.memory_space<hbm>>) target(%arg9 : memref<128xi32, #tpu.memory_space<vmem>>) target_semaphore(%run_scoped3A : memref<!tpu.dma_semaphore, #tpu.memory_space<semaphore_mem>>)
        %dma_wait3A_58 = tpu.memref_slice %arg4[%add3A_26] : memref<327680xi32, #tpu.memory_space<hbm>> -> memref<128xi32, #tpu.memory_space<hbm>>
        %dma_wait3A_59 = tpu.memref_slice %arg4[%add3A_26] : memref<327680xi32, #tpu.memory_space<hbm>> -> memref<128xi32, #tpu.memory_space<hbm>>
        tpu.wait_dma2 semaphore(%run_scoped3A : memref<!tpu.dma_semaphore, #tpu.memory_space<semaphore_mem>>) src(%dma_wait3A_59 : memref<128xi32, #tpu.memory_space<hbm>>) dst(%arg9 : memref<128xi32, #tpu.memory_space<vmem>>)
        tpu.yield
      }) : () -> ()
      %dma_start3A = arith.constant 0 : i32
      %dma_start3A_34 = arith.constant 0 : i32
      %dma_start3A_35 = tpu.memref_slice %arg2[%dma_start3A, %dma_start3A_34] : memref<10000x128xf32, #tpu.memory_space<hbm>> -> memref<10000x128xf32, #tpu.memory_space<hbm>>
      tpu.enqueue_indirect_dma source(%dma_start3A_35 : memref<10000x128xf32, #tpu.memory_space<hbm>>) target(%arg11 : memref<128x128xf32, #tpu.memory_space<vmem>>) offsets(%arg7 : memref<128xi32, #tpu.memory_space<vmem>>) semaphore(%arg14 : memref<!tpu.dma_semaphore, #tpu.memory_space<semaphore_mem>>)
      "tpu.region"() ({
        %run_scoped3A = tpu.sem_alloc : memref<!tpu.dma_semaphore, #tpu.memory_space<semaphore_mem>>
        %dma_start3A_56 = tpu.memref_slice %arg3[%add3A_33] : memref<327680xi32, #tpu.memory_space<hbm>> -> memref<128xi32, #tpu.memory_space<hbm>>
        %dma_start3A_57 = tpu.memref_slice %arg3[%add3A_33] : memref<327680xi32, #tpu.memory_space<hbm>> -> memref<128xi32, #tpu.memory_space<hbm>>
        tpu.enqueue_dma source(%dma_start3A_57 : memref<128xi32, #tpu.memory_space<hbm>>) target(%arg8 : memref<128xi32, #tpu.memory_space<vmem>>) target_semaphore(%run_scoped3A : memref<!tpu.dma_semaphore, #tpu.memory_space<semaphore_mem>>)
        %dma_wait3A_58 = tpu.memref_slice %arg3[%add3A_33] : memref<327680xi32, #tpu.memory_space<hbm>> -> memref<128xi32, #tpu.memory_space<hbm>>
        %dma_wait3A_59 = tpu.memref_slice %arg3[%add3A_33] : memref<327680xi32, #tpu.memory_space<hbm>> -> memref<128xi32, #tpu.memory_space<hbm>>
        tpu.wait_dma2 semaphore(%run_scoped3A : memref<!tpu.dma_semaphore, #tpu.memory_space<semaphore_mem>>) src(%dma_wait3A_59 : memref<128xi32, #tpu.memory_space<hbm>>) dst(%arg8 : memref<128xi32, #tpu.memory_space<vmem>>)
        tpu.yield
      }) : () -> ()
      "tpu.region"() ({
        %run_scoped3A = tpu.sem_alloc : memref<!tpu.dma_semaphore, #tpu.memory_space<semaphore_mem>>
        %dma_start3A_56 = tpu.memref_slice %arg4[%add3A_33] : memref<327680xi32, #tpu.memory_space<hbm>> -> memref<128xi32, #tpu.memory_space<hbm>>
        %dma_start3A_57 = tpu.memref_slice %arg4[%add3A_33] : memref<327680xi32, #tpu.memory_space<hbm>> -> memref<128xi32, #tpu.memory_space<hbm>>
        tpu.enqueue_dma source(%dma_start3A_57 : memref<128xi32, #tpu.memory_space<hbm>>) target(%arg10 : memref<128xi32, #tpu.memory_space<vmem>>) target_semaphore(%run_scoped3A : memref<!tpu.dma_semaphore, #tpu.memory_space<semaphore_mem>>)
        %dma_wait3A_58 = tpu.memref_slice %arg4[%add3A_33] : memref<327680xi32, #tpu.memory_space<hbm>> -> memref<128xi32, #tpu.memory_space<hbm>>
        %dma_wait3A_59 = tpu.memref_slice %arg4[%add3A_33] : memref<327680xi32, #tpu.memory_space<hbm>> -> memref<128xi32, #tpu.memory_space<hbm>>
        tpu.wait_dma2 semaphore(%run_scoped3A : memref<!tpu.dma_semaphore, #tpu.memory_space<semaphore_mem>>) src(%dma_wait3A_59 : memref<128xi32, #tpu.memory_space<hbm>>) dst(%arg10 : memref<128xi32, #tpu.memory_space<vmem>>)
        tpu.yield
      }) : () -> ()
      %dma_start3A_36 = arith.constant 0 : i32
      %dma_start3A_37 = arith.constant 0 : i32
      %dma_start3A_38 = tpu.memref_slice %arg2[%dma_start3A_36, %dma_start3A_37] : memref<10000x128xf32, #tpu.memory_space<hbm>> -> memref<10000x128xf32, #tpu.memory_space<hbm>>
      tpu.enqueue_indirect_dma source(%dma_start3A_38 : memref<10000x128xf32, #tpu.memory_space<hbm>>) target(%arg12 : memref<128x128xf32, #tpu.memory_space<vmem>>) offsets(%arg8 : memref<128xi32, #tpu.memory_space<vmem>>) semaphore(%arg15 : memref<!tpu.dma_semaphore, #tpu.memory_space<semaphore_mem>>)
      %dma_wait3A = arith.constant 0 : i32
      %dma_wait3A_39 = arith.constant 0 : i32
      %dma_wait3A_40 = tpu.memref_slice %arg2[%dma_wait3A, %dma_wait3A_39] : memref<10000x128xf32, #tpu.memory_space<hbm>> -> memref<10000x128xf32, #tpu.memory_space<hbm>>
      tpu.wait_indirect_dma semaphore(%arg14 : memref<!tpu.dma_semaphore, #tpu.memory_space<semaphore_mem>>) src(%dma_wait3A_40 : memref<10000x128xf32, #tpu.memory_space<hbm>>) dst(%arg11 : memref<128x128xf32, #tpu.memory_space<vmem>>)
      %dma_start3A_41 = arith.constant 0 : i32
      %dma_start3A_42 = arith.constant 0 : i32
      %dma_start3A_43 = tpu.memref_slice %arg13[%dma_start3A_41, %dma_start3A_42] : memref<10112x128xf32, #tpu.memory_space<vmem_shared>> -> memref<10112x128xf32, #tpu.memory_space<vmem_shared>>
      tpu.enqueue_indirect_dma source(%arg11 : memref<128x128xf32, #tpu.memory_space<vmem>>) target(%dma_start3A_43 : memref<10112x128xf32, #tpu.memory_space<vmem_shared>>) offsets(%arg9 : memref<128xi32, #tpu.memory_space<vmem>>) semaphore(%arg16 : memref<!tpu.dma_semaphore, #tpu.memory_space<semaphore_mem>>) {add = true}
      %dma_wait3A_44 = arith.constant 0 : i32
      %dma_wait3A_45 = arith.constant 0 : i32
      %dma_wait3A_46 = tpu.memref_slice %arg2[%dma_wait3A_44, %dma_wait3A_45] : memref<10000x128xf32, #tpu.memory_space<hbm>> -> memref<10000x128xf32, #tpu.memory_space<hbm>>
      tpu.wait_indirect_dma semaphore(%arg15 : memref<!tpu.dma_semaphore, #tpu.memory_space<semaphore_mem>>) src(%dma_wait3A_46 : memref<10000x128xf32, #tpu.memory_space<hbm>>) dst(%arg12 : memref<128x128xf32, #tpu.memory_space<vmem>>)
      %dma_start3A_47 = arith.constant 0 : i32
      %dma_start3A_48 = arith.constant 0 : i32
      %dma_start3A_49 = tpu.memref_slice %arg13[%dma_start3A_47, %dma_start3A_48] : memref<10112x128xf32, #tpu.memory_space<vmem_shared>> -> memref<10112x128xf32, #tpu.memory_space<vmem_shared>>
      tpu.enqueue_indirect_dma source(%arg12 : memref<128x128xf32, #tpu.memory_space<vmem>>) target(%dma_start3A_49 : memref<10112x128xf32, #tpu.memory_space<vmem_shared>>) offsets(%arg10 : memref<128xi32, #tpu.memory_space<vmem>>) semaphore(%arg17 : memref<!tpu.dma_semaphore, #tpu.memory_space<semaphore_mem>>) {add = true}
      %dma_wait3A_50 = arith.constant 0 : i32
      %dma_wait3A_51 = arith.constant 0 : i32
      %dma_wait3A_52 = tpu.memref_slice %arg13[%dma_wait3A_50, %dma_wait3A_51] : memref<10112x128xf32, #tpu.memory_space<vmem_shared>> -> memref<10112x128xf32, #tpu.memory_space<vmem_shared>>
      tpu.wait_indirect_dma semaphore(%arg16 : memref<!tpu.dma_semaphore, #tpu.memory_space<semaphore_mem>>) src(%arg11 : memref<128x128xf32, #tpu.memory_space<vmem>>) dst(%dma_wait3A_52 : memref<10112x128xf32, #tpu.memory_space<vmem_shared>>)
      %dma_wait3A_53 = arith.constant 0 : i32
      %dma_wait3A_54 = arith.constant 0 : i32
      %dma_wait3A_55 = tpu.memref_slice %arg13[%dma_wait3A_53, %dma_wait3A_54] : memref<10112x128xf32, #tpu.memory_space<vmem_shared>> -> memref<10112x128xf32, #tpu.memory_space<vmem_shared>>
      tpu.wait_indirect_dma semaphore(%arg17 : memref<!tpu.dma_semaphore, #tpu.memory_space<semaphore_mem>>) src(%arg12 : memref<128x128xf32, #tpu.memory_space<vmem>>) dst(%dma_wait3A_55 : memref<10112x128xf32, #tpu.memory_space<vmem_shared>>)
    }
    %scan3A_13 = arith.constant 40 : i32
    %barrier3A_14 = arith.constant 0 : index
    tpu.barrier barrier_id(%barrier3A_14)
    %mul3A_15 = arith.constant 632 : i32
    %mul3A_16 = arith.muli %arg1, %mul3A_15 : i32
    %mul3A_17 = arith.constant 632 : i32
    %mul3A_18 = arith.muli %arg1, %mul3A_17 : i32
    "tpu.region"() ({
      %run_scoped3A = tpu.sem_alloc : memref<!tpu.dma_semaphore, #tpu.memory_space<semaphore_mem>>
      %dma_start3A = arith.constant 0 : i32
      %dma_start3A_19 = tpu.memref_slice %arg6[%arg0, %mul3A_18, %dma_start3A] : memref<2x10112x128xf32, #tpu.memory_space<hbm>> -> memref<1x632x128xf32, #tpu.memory_space<hbm>>
      %dma_start3A_20 = tpu.memref_squeeze %dma_start3A_19 : memref<1x632x128xf32, #tpu.memory_space<hbm>> -> memref<632x128xf32, #tpu.memory_space<hbm>>
      %dma_start3A_21 = arith.constant 0 : i32
      %dma_start3A_22 = tpu.memref_slice %arg13[%mul3A_16, %dma_start3A_21] : memref<10112x128xf32, #tpu.memory_space<vmem_shared>> -> memref<632x128xf32, #tpu.memory_space<vmem_shared>>
      tpu.enqueue_dma source(%dma_start3A_22 : memref<632x128xf32, #tpu.memory_space<vmem_shared>>) target(%dma_start3A_20 : memref<632x128xf32, #tpu.memory_space<hbm>>) target_semaphore(%run_scoped3A : memref<!tpu.dma_semaphore, #tpu.memory_space<semaphore_mem>>)
      %dma_wait3A = arith.constant 0 : i32
      %dma_wait3A_23 = tpu.memref_slice %arg6[%arg0, %mul3A_18, %dma_wait3A] : memref<2x10112x128xf32, #tpu.memory_space<hbm>> -> memref<1x632x128xf32, #tpu.memory_space<hbm>>
      %dma_wait3A_24 = tpu.memref_squeeze %dma_wait3A_23 : memref<1x632x128xf32, #tpu.memory_space<hbm>> -> memref<632x128xf32, #tpu.memory_space<hbm>>
      %dma_wait3A_25 = arith.constant 0 : i32
      %dma_wait3A_26 = tpu.memref_slice %arg13[%mul3A_16, %dma_wait3A_25] : memref<10112x128xf32, #tpu.memory_space<vmem_shared>> -> memref<632x128xf32, #tpu.memory_space<vmem_shared>>
      tpu.wait_dma2 semaphore(%run_scoped3A : memref<!tpu.dma_semaphore, #tpu.memory_space<semaphore_mem>>) src(%dma_wait3A_26 : memref<632x128xf32, #tpu.memory_space<vmem_shared>>) dst(%dma_wait3A_24 : memref<632x128xf32, #tpu.memory_space<hbm>>)
      tpu.yield
    }) : () -> ()
    return
  }
}

module attributes {stable_mosaic.version = 14 : i64} {
  func.func @_prep_body(%arg0: i32, %arg1: memref<2x2000x128xf32, #tpu.memory_space<vmem>>, %arg2: memref<2000x128xf32, #tpu.memory_space<vmem>>, %arg3: memref<128x128xf32, #tpu.memory_space<vmem>>, %arg4: memref<2000x128xf32, #tpu.memory_space<vmem>>, %arg5: memref<2000x128xf32, #tpu.memory_space<vmem>>) attributes {dimension_semantics = [#tpu.dimension_semantics<arbitrary>], iteration_bounds = array<i64: 5>, scalar_prefetch = 0 : i64, scratch_operands = 0 : i64, tpu.core_type = #tpu.core_type<tc>, window_params = [{transform_indices = @transform_0, window_bounds = array<i64: 2, 2000, 128>}, {transform_indices = @transform_1, window_bounds = array<i64: 2000, 128>}, {pipeline_mode = #tpu.pipeline_mode<synchronous>, transform_indices = @transform_2, window_bounds = array<i64: 128, 128>}, {transform_indices = @transform_3, window_bounds = array<i64: 2000, 128>}, {transform_indices = @transform_4, window_bounds = array<i64: 2000, 128>}]} {
    %get3A = arith.constant 0 : index
    %get3A_0 = arith.constant 0 : index
    %get3A_1 = arith.constant 0 : index
    %get3A_2 = vector.load %arg1[%get3A, %get3A_0, %get3A_1] : memref<2x2000x128xf32, #tpu.memory_space<vmem>>, vector<1x2000x128xf32>
    %get3A_3 = vector.shape_cast %get3A_2 : vector<1x2000x128xf32> to vector<2000x128xf32>
    %get3A_4 = arith.constant 1 : index
    %get3A_5 = arith.constant 0 : index
    %get3A_6 = arith.constant 0 : index
    %get3A_7 = vector.load %arg1[%get3A_4, %get3A_5, %get3A_6] : memref<2x2000x128xf32, #tpu.memory_space<vmem>>, vector<1x2000x128xf32>
    %get3A_8 = vector.shape_cast %get3A_7 : vector<1x2000x128xf32> to vector<2000x128xf32>
    %add3A = arith.addf %get3A_3, %get3A_8 : vector<2000x128xf32>
    %slice3A = vector.extract_strided_slice %add3A {offsets = [0, 0], sizes = [2000, 1], strides = [1, 1]} : vector<2000x128xf32> to vector<2000x1xf32>
    %add3A_9 = arith.constant 1.000000e+00 : f32
    %add3A_10 = vector.broadcast %add3A_9 : f32 to vector<2000x1xf32>
    %add3A_11 = arith.addf %slice3A, %add3A_10 : vector<2000x1xf32>
    %rsqrt3A = math.rsqrt %add3A_11 : vector<2000x1xf32>
    %get3A_12 = arith.constant 0 : index
    %get3A_13 = arith.constant 0 : index
    %get3A_14 = vector.load %arg2[%get3A_12, %get3A_13] : memref<2000x128xf32, #tpu.memory_space<vmem>>, vector<2000x128xf32>
    %get3A_15 = arith.constant 0 : index
    %get3A_16 = arith.constant 0 : index
    %get3A_17 = vector.load %arg3[%get3A_15, %get3A_16] : memref<128x128xf32, #tpu.memory_space<vmem>>, vector<128x128xf32>
    %dot_general3A = arith.constant dense<0.000000e+00> : vector<2000x128xf32>
    %dot_general3A_18 = tpu.matmul %get3A_14, %get3A_17, %dot_general3A {dimension_numbers = #tpu.dot_dimension_numbers<[1], [0], [0], [1], [0, 0, 1, 1], [], []>, transpose_lhs_hint = false} : vector<2000x128xf32>, vector<128x128xf32>, vector<2000x128xf32> -> vector<2000x128xf32>
    %swap3A = arith.constant 0 : index
    %swap3A_19 = arith.constant 0 : index
    %swap3A_20 = vector.load %arg4[%swap3A, %swap3A_19] : memref<2000x128xf32, #tpu.memory_space<vmem>>, vector<2000x128xf32>
    tpu.vector_store %arg4[%swap3A, %swap3A_19], %dot_general3A_18 {strides = array<i32>} : memref<2000x128xf32, #tpu.memory_space<vmem>>, vector<2000x128xf32>,
    %mul3A = vector.broadcast %rsqrt3A : vector<2000x1xf32> to vector<2000x128xf32>
    %mul3A_21 = arith.mulf %mul3A, %dot_general3A_18 : vector<2000x128xf32>
    %swap3A_22 = arith.constant 0 : index
    %swap3A_23 = arith.constant 0 : index
    %swap3A_24 = vector.load %arg5[%swap3A_22, %swap3A_23] : memref<2000x128xf32, #tpu.memory_space<vmem>>, vector<2000x128xf32>
    tpu.vector_store %arg5[%swap3A_22, %swap3A_23], %mul3A_21 {strides = array<i32>} : memref<2000x128xf32, #tpu.memory_space<vmem>>, vector<2000x128xf32>,
    return
  }
  func.func @transform_0(%arg0: i32) -> (i32, i32, i32) {
    %c0_i32 = arith.constant 0 : i32
    %c0_i32_0 = arith.constant 0 : i32
    %c0_i32_1 = arith.constant 0 : i32
    return %c0_i32, %arg0, %c0_i32_0 : i32, i32, i32
  }
  func.func @transform_1(%arg0: i32) -> (i32, i32) {
    %c0_i32 = arith.constant 0 : i32
    %c0_i32_0 = arith.constant 0 : i32
    return %arg0, %c0_i32 : i32, i32
  }
  func.func @transform_2(%arg0: i32) -> (i32, i32) {
    %c0_i32 = arith.constant 0 : i32
    %c0_i32_0 = arith.constant 0 : i32
    %c0_i32_1 = arith.constant 0 : i32
    return %c0_i32, %c0_i32_0 : i32, i32
  }
  func.func @transform_3(%arg0: i32) -> (i32, i32) {
    %c0_i32 = arith.constant 0 : i32
    %c0_i32_0 = arith.constant 0 : i32
    return %arg0, %c0_i32 : i32, i32
  }
  func.func @transform_4(%arg0: i32) -> (i32, i32) {
    %c0_i32 = arith.constant 0 : i32
    %c0_i32_0 = arith.constant 0 : i32
    return %arg0, %c0_i32 : i32, i32
  }
}

module attributes {stable_mosaic.version = 14 : i64} {
  func.func @_mid_body(%arg0: i32, %arg1: memref<2x2000x128xf32, #tpu.memory_space<vmem>>, %arg2: memref<2x2000x128xf32, #tpu.memory_space<vmem>>, %arg3: memref<2000x128xf32, #tpu.memory_space<vmem>>, %arg4: memref<1x128xf32, #tpu.memory_space<vmem>>, %arg5: memref<128x128xf32, #tpu.memory_space<vmem>>, %arg6: memref<2000x128xf32, #tpu.memory_space<vmem>>, %arg7: memref<2000x128xf32, #tpu.memory_space<vmem>>) attributes {dimension_semantics = [#tpu.dimension_semantics<arbitrary>], iteration_bounds = array<i64: 5>, scalar_prefetch = 0 : i64, scratch_operands = 0 : i64, tpu.core_type = #tpu.core_type<tc>, window_params = [{transform_indices = @transform_0, window_bounds = array<i64: 2, 2000, 128>}, {transform_indices = @transform_1, window_bounds = array<i64: 2, 2000, 128>}, {transform_indices = @transform_2, window_bounds = array<i64: 2000, 128>}, {pipeline_mode = #tpu.pipeline_mode<synchronous>, transform_indices = @transform_3, window_bounds = array<i64: 1, 128>}, {pipeline_mode = #tpu.pipeline_mode<synchronous>, transform_indices = @transform_4, window_bounds = array<i64: 128, 128>}, {transform_indices = @transform_5, window_bounds = array<i64: 2000, 128>}, {transform_indices = @transform_6, window_bounds = array<i64: 2000, 128>}]} {
    %get3A = arith.constant 0 : index
    %get3A_0 = arith.constant 0 : index
    %get3A_1 = arith.constant 0 : index
    %get3A_2 = vector.load %arg1[%get3A, %get3A_0, %get3A_1] : memref<2x2000x128xf32, #tpu.memory_space<vmem>>, vector<1x2000x128xf32>
    %get3A_3 = vector.shape_cast %get3A_2 : vector<1x2000x128xf32> to vector<2000x128xf32>
    %get3A_4 = arith.constant 1 : index
    %get3A_5 = arith.constant 0 : index
    %get3A_6 = arith.constant 0 : index
    %get3A_7 = vector.load %arg1[%get3A_4, %get3A_5, %get3A_6] : memref<2x2000x128xf32, #tpu.memory_space<vmem>>, vector<1x2000x128xf32>
    %get3A_8 = vector.shape_cast %get3A_7 : vector<1x2000x128xf32> to vector<2000x128xf32>
    %add3A = arith.addf %get3A_3, %get3A_8 : vector<2000x128xf32>
    %slice3A = vector.extract_strided_slice %add3A {offsets = [0, 0], sizes = [2000, 1], strides = [1, 1]} : vector<2000x128xf32> to vector<2000x1xf32>
    %add3A_9 = arith.constant 1.000000e+00 : f32
    %add3A_10 = vector.broadcast %add3A_9 : f32 to vector<2000x1xf32>
    %add3A_11 = arith.addf %slice3A, %add3A_10 : vector<2000x1xf32>
    %rsqrt3A = math.rsqrt %add3A_11 : vector<2000x1xf32>
    %get3A_12 = arith.constant 0 : index
    %get3A_13 = arith.constant 0 : index
    %get3A_14 = arith.constant 0 : index
    %get3A_15 = vector.load %arg2[%get3A_12, %get3A_13, %get3A_14] : memref<2x2000x128xf32, #tpu.memory_space<vmem>>, vector<1x2000x128xf32>
    %get3A_16 = vector.shape_cast %get3A_15 : vector<1x2000x128xf32> to vector<2000x128xf32>
    %get3A_17 = arith.constant 1 : index
    %get3A_18 = arith.constant 0 : index
    %get3A_19 = arith.constant 0 : index
    %get3A_20 = vector.load %arg2[%get3A_17, %get3A_18, %get3A_19] : memref<2x2000x128xf32, #tpu.memory_space<vmem>>, vector<1x2000x128xf32>
    %get3A_21 = vector.shape_cast %get3A_20 : vector<1x2000x128xf32> to vector<2000x128xf32>
    %add3A_22 = arith.addf %get3A_16, %get3A_21 : vector<2000x128xf32>
    %mul3A = vector.broadcast %rsqrt3A : vector<2000x1xf32> to vector<2000x128xf32>
    %mul3A_23 = arith.mulf %mul3A, %add3A_22 : vector<2000x128xf32>
    %mul3A_24 = arith.mulf %rsqrt3A, %rsqrt3A : vector<2000x1xf32>
    %get3A_25 = arith.constant 0 : index
    %get3A_26 = arith.constant 0 : index
    %get3A_27 = vector.load %arg3[%get3A_25, %get3A_26] : memref<2000x128xf32, #tpu.memory_space<vmem>>, vector<2000x128xf32>
    %mul3A_28 = vector.broadcast %mul3A_24 : vector<2000x1xf32> to vector<2000x128xf32>
    %mul3A_29 = arith.mulf %mul3A_28, %get3A_27 : vector<2000x128xf32>
    %add3A_30 = arith.addf %mul3A_23, %mul3A_29 : vector<2000x128xf32>
    %get3A_31 = arith.constant 0 : index
    %get3A_32 = arith.constant 0 : index
    %get3A_33 = vector.load %arg4[%get3A_31, %get3A_32] : memref<1x128xf32, #tpu.memory_space<vmem>>, vector<1x128xf32>
    %add3A_34 = vector.broadcast %get3A_33 : vector<1x128xf32> to vector<2000x128xf32>
    %add3A_35 = arith.addf %add3A_30, %add3A_34 : vector<2000x128xf32>
    %max3A = arith.constant 0.000000e+00 : f32
    %max3A_36 = vector.broadcast %max3A : f32 to vector<2000x128xf32>
    %max3A_37 = arith.maximumf %add3A_35, %max3A_36 : vector<2000x128xf32>
    %get3A_38 = arith.constant 0 : index
    %get3A_39 = arith.constant 0 : index
    %get3A_40 = vector.load %arg5[%get3A_38, %get3A_39] : memref<128x128xf32, #tpu.memory_space<vmem>>, vector<128x128xf32>
    %dot_general3A = arith.constant dense<0.000000e+00> : vector<2000x128xf32>
    %dot_general3A_41 = tpu.matmul %max3A_37, %get3A_40, %dot_general3A {dimension_numbers = #tpu.dot_dimension_numbers<[1], [0], [0], [1], [0, 0, 1, 1], [], []>, transpose_lhs_hint = false} : vector<2000x128xf32>, vector<128x128xf32>, vector<2000x128xf32> -> vector<2000x128xf32>
    %swap3A = arith.constant 0 : index
    %swap3A_42 = arith.constant 0 : index
    %swap3A_43 = vector.load %arg6[%swap3A, %swap3A_42] : memref<2000x128xf32, #tpu.memory_space<vmem>>, vector<2000x128xf32>
    tpu.vector_store %arg6[%swap3A, %swap3A_42], %dot_general3A_41 {strides = array<i32>} : memref<2000x128xf32, #tpu.memory_space<vmem>>, vector<2000x128xf32>,
    %mul3A_44 = vector.broadcast %rsqrt3A : vector<2000x1xf32> to vector<2000x128xf32>
    %mul3A_45 = arith.mulf %mul3A_44, %dot_general3A_41 : vector<2000x128xf32>
    %swap3A_46 = arith.constant 0 : index
    %swap3A_47 = arith.constant 0 : index
    %swap3A_48 = vector.load %arg7[%swap3A_46, %swap3A_47] : memref<2000x128xf32, #tpu.memory_space<vmem>>, vector<2000x128xf32>
    tpu.vector_store %arg7[%swap3A_46, %swap3A_47], %mul3A_45 {strides = array<i32>} : memref<2000x128xf32, #tpu.memory_space<vmem>>, vector<2000x128xf32>,
    return
  }
  func.func @transform_0(%arg0: i32) -> (i32, i32, i32) {
    %c0_i32 = arith.constant 0 : i32
    %c0_i32_0 = arith.constant 0 : i32
    %c0_i32_1 = arith.constant 0 : i32
    return %c0_i32, %arg0, %c0_i32_0 : i32, i32, i32
  }
  func.func @transform_1(%arg0: i32) -> (i32, i32, i32) {
    %c0_i32 = arith.constant 0 : i32
    %c0_i32_0 = arith.constant 0 : i32
    %c0_i32_1 = arith.constant 0 : i32
    return %c0_i32, %arg0, %c0_i32_0 : i32, i32, i32
  }
  func.func @transform_2(%arg0: i32) -> (i32, i32) {
    %c0_i32 = arith.constant 0 : i32
    %c0_i32_0 = arith.constant 0 : i32
    return %arg0, %c0_i32 : i32, i32
  }
  func.func @transform_3(%arg0: i32) -> (i32, i32) {
    %c0_i32 = arith.constant 0 : i32
    %c0_i32_0 = arith.constant 0 : i32
    %c0_i32_1 = arith.constant 0 : i32
    return %c0_i32, %c0_i32_0 : i32, i32
  }
  func.func @transform_4(%arg0: i32) -> (i32, i32) {
    %c0_i32 = arith.constant 0 : i32
    %c0_i32_0 = arith.constant 0 : i32
    %c0_i32_1 = arith.constant 0 : i32
    return %c0_i32, %c0_i32_0 : i32, i32
  }
  func.func @transform_5(%arg0: i32) -> (i32, i32) {
    %c0_i32 = arith.constant 0 : i32
    %c0_i32_0 = arith.constant 0 : i32
    return %arg0, %c0_i32 : i32, i32
  }
  func.func @transform_6(%arg0: i32) -> (i32, i32) {
    %c0_i32 = arith.constant 0 : i32
    %c0_i32_0 = arith.constant 0 : i32
    return %arg0, %c0_i32 : i32, i32
  }
}

module attributes {stable_mosaic.version = 14 : i64} {
  func.func @_final_body(%arg0: i32, %arg1: memref<2x2000x128xf32, #tpu.memory_space<vmem>>, %arg2: memref<2x2000x128xf32, #tpu.memory_space<vmem>>, %arg3: memref<2000x128xf32, #tpu.memory_space<vmem>>, %arg4: memref<1x128xf32, #tpu.memory_space<vmem>>, %arg5: memref<2000x128xf32, #tpu.memory_space<vmem>>) attributes {dimension_semantics = [#tpu.dimension_semantics<arbitrary>], iteration_bounds = array<i64: 5>, scalar_prefetch = 0 : i64, scratch_operands = 0 : i64, tpu.core_type = #tpu.core_type<tc>, window_params = [{transform_indices = @transform_0, window_bounds = array<i64: 2, 2000, 128>}, {transform_indices = @transform_1, window_bounds = array<i64: 2, 2000, 128>}, {transform_indices = @transform_2, window_bounds = array<i64: 2000, 128>}, {pipeline_mode = #tpu.pipeline_mode<synchronous>, transform_indices = @transform_3, window_bounds = array<i64: 1, 128>}, {transform_indices = @transform_4, window_bounds = array<i64: 2000, 128>}]} {
    %get3A = arith.constant 0 : index
    %get3A_0 = arith.constant 0 : index
    %get3A_1 = arith.constant 0 : index
    %get3A_2 = vector.load %arg1[%get3A, %get3A_0, %get3A_1] : memref<2x2000x128xf32, #tpu.memory_space<vmem>>, vector<1x2000x128xf32>
    %get3A_3 = vector.shape_cast %get3A_2 : vector<1x2000x128xf32> to vector<2000x128xf32>
    %get3A_4 = arith.constant 1 : index
    %get3A_5 = arith.constant 0 : index
    %get3A_6 = arith.constant 0 : index
    %get3A_7 = vector.load %arg1[%get3A_4, %get3A_5, %get3A_6] : memref<2x2000x128xf32, #tpu.memory_space<vmem>>, vector<1x2000x128xf32>
    %get3A_8 = vector.shape_cast %get3A_7 : vector<1x2000x128xf32> to vector<2000x128xf32>
    %add3A = arith.addf %get3A_3, %get3A_8 : vector<2000x128xf32>
    %slice3A = vector.extract_strided_slice %add3A {offsets = [0, 0], sizes = [2000, 1], strides = [1, 1]} : vector<2000x128xf32> to vector<2000x1xf32>
    %add3A_9 = arith.constant 1.000000e+00 : f32
    %add3A_10 = vector.broadcast %add3A_9 : f32 to vector<2000x1xf32>
    %add3A_11 = arith.addf %slice3A, %add3A_10 : vector<2000x1xf32>
    %rsqrt3A = math.rsqrt %add3A_11 : vector<2000x1xf32>
    %get3A_12 = arith.constant 0 : index
    %get3A_13 = arith.constant 0 : index
    %get3A_14 = arith.constant 0 : index
    %get3A_15 = vector.load %arg2[%get3A_12, %get3A_13, %get3A_14] : memref<2x2000x128xf32, #tpu.memory_space<vmem>>, vector<1x2000x128xf32>
    %get3A_16 = vector.shape_cast %get3A_15 : vector<1x2000x128xf32> to vector<2000x128xf32>
    %get3A_17 = arith.constant 1 : index
    %get3A_18 = arith.constant 0 : index
    %get3A_19 = arith.constant 0 : index
    %get3A_20 = vector.load %arg2[%get3A_17, %get3A_18, %get3A_19] : memref<2x2000x128xf32, #tpu.memory_space<vmem>>, vector<1x2000x128xf32>
    %get3A_21 = vector.shape_cast %get3A_20 : vector<1x2000x128xf32> to vector<2000x128xf32>
    %add3A_22 = arith.addf %get3A_16, %get3A_21 : vector<2000x128xf32>
    %mul3A = vector.broadcast %rsqrt3A : vector<2000x1xf32> to vector<2000x128xf32>
    %mul3A_23 = arith.mulf %mul3A, %add3A_22 : vector<2000x128xf32>
    %mul3A_24 = arith.mulf %rsqrt3A, %rsqrt3A : vector<2000x1xf32>
    %get3A_25 = arith.constant 0 : index
    %get3A_26 = arith.constant 0 : index
    %get3A_27 = vector.load %arg3[%get3A_25, %get3A_26] : memref<2000x128xf32, #tpu.memory_space<vmem>>, vector<2000x128xf32>
    %mul3A_28 = vector.broadcast %mul3A_24 : vector<2000x1xf32> to vector<2000x128xf32>
    %mul3A_29 = arith.mulf %mul3A_28, %get3A_27 : vector<2000x128xf32>
    %add3A_30 = arith.addf %mul3A_23, %mul3A_29 : vector<2000x128xf32>
    %get3A_31 = arith.constant 0 : index
    %get3A_32 = arith.constant 0 : index
    %get3A_33 = vector.load %arg4[%get3A_31, %get3A_32] : memref<1x128xf32, #tpu.memory_space<vmem>>, vector<1x128xf32>
    %add3A_34 = vector.broadcast %get3A_33 : vector<1x128xf32> to vector<2000x128xf32>
    %add3A_35 = arith.addf %add3A_30, %add3A_34 : vector<2000x128xf32>
    %swap3A = arith.constant 0 : index
    %swap3A_36 = arith.constant 0 : index
    %swap3A_37 = vector.load %arg5[%swap3A, %swap3A_36] : memref<2000x128xf32, #tpu.memory_space<vmem>>, vector<2000x128xf32>
    tpu.vector_store %arg5[%swap3A, %swap3A_36], %add3A_35 {strides = array<i32>} : memref<2000x128xf32, #tpu.memory_space<vmem>>, vector<2000x128xf32>,
    return
  }
  func.func @transform_0(%arg0: i32) -> (i32, i32, i32) {
    %c0_i32 = arith.constant 0 : i32
    %c0_i32_0 = arith.constant 0 : i32
    %c0_i32_1 = arith.constant 0 : i32
    return %c0_i32, %arg0, %c0_i32_0 : i32, i32, i32
  }
  func.func @transform_1(%arg0: i32) -> (i32, i32, i32) {
    %c0_i32 = arith.constant 0 : i32
    %c0_i32_0 = arith.constant 0 : i32
    %c0_i32_1 = arith.constant 0 : i32
    return %c0_i32, %arg0, %c0_i32_0 : i32, i32, i32
  }
  func.func @transform_2(%arg0: i32) -> (i32, i32) {
    %c0_i32 = arith.constant 0 : i32
    %c0_i32_0 = arith.constant 0 : i32
    return %arg0, %c0_i32 : i32, i32
  }
  func.func @transform_3(%arg0: i32) -> (i32, i32) {
    %c0_i32 = arith.constant 0 : i32
    %c0_i32_0 = arith.constant 0 : i32
    %c0_i32_1 = arith.constant 0 : i32
    return %c0_i32, %c0_i32_0 : i32, i32
  }
  func.func @transform_4(%arg0: i32) -> (i32, i32) {
    %c0_i32 = arith.constant 0 : i32
    %c0_i32_0 = arith.constant 0 : i32
    return %arg0, %c0_i32 : i32, i32
  }
}

</mosaic_0001>

<sc_bundles>
// kernel: kernel.10.cloned.1.call-start
scs
__scs_entry_jumppad:
0x0: {  	(pc) =	sbr.rel $0x88, $3  }
0x1: {  	(tag) =	ssettag $0x0;
	lr =	simm.s32 $0x1  }
0x2: {  	[smem:$0x3F99] =	sst lr;
	_ =	strace $0xD0000000  }
0x3: {  	_ = 	snop  }
0x4: {  	_ = 	snop  }
0x5: {  	_ = 	snop  }
0x6: {  	_ = 	snop  }
0x7: {  	_ = 	snop  }
__scs_overlays_trampoline_lowered:
0x8: {  	[smem:$0x3FA8] =	sst s0  }
0x9: {  	[smem:$0x3FA9] =	sst s1  }
0xa: {  	[smem:$0x3FAA] =	sst s2  }
0xb: {  	[smem:$0x3FAB] =	sst s3  }
0xc: {  	[smem:$0x3FAC] =	sst s4  }
0xd: {  	[smem:$0x3FAD] =	sst s5  }
0xe: {  	[smem:$0x3FAE] =	sst s6  }
0xf: {  	[smem:$0x3FAF] =	sst s7  }
0x10: {  	[smem:$0x3FB0] =	sst s8  }
0x11: {  	[smem:$0x3FB1] =	sst s9;
	s0 =	simm.s32 @!p0 $0x0  }
0x12: {  	s1 =	sld [smem:$0x3F97];
	s0 =	simm.s32 @p0 $0x1  }
0x13: {  	[smem:$0x3FB2] =	sst s0;
	s0 =	simm.s32 @!p1 $0x0  }
0x14: {  	s2 =	sld [smem:$0x3F96];
	s0 =	simm.s32 @p1 $0x1  }
0x15: {  	[smem:$0x3FB3] =	sst s0;
	s0 =	simm.s32 @!p2 $0x0  }
0x16: {  	s3 =	sld [smem:$0x3FDB];
	s0 =	simm.s32 @p2 $0x1  }
0x17: {  	s4 =	simm.s32 $0x1BF5;
	[smem:$0x3FB5] =	sst s0  }
0x18: {  	s0 =	sld [smem:$0x3F98];
	_ =	swait.ge [sflag:s4], $0x0  }
0x19: {  	s7 =	sld [smem:$0x3F99]  }
0x1a: {  	s8 =	sadd.s32 $0xFFFFE003, lr  }
0x1b: {  	s9 =	sadd.s32 $0xFFFFFEF7, lr;
	s5 =	simm.s32 $0xFFFFFFFF;
	p2 =	slt.u32 s8, $0xFFFFF086  }
0x1c: {  	p1 =	slt.u32 s9, $0xF7A;
	s5 =	simm.s32 @!p2 $0x0  }
0x1d: {  	s5 =	simm.s32 @p1 $0x1;
	p0 =	seq.s32 s7, s2  }
0x1e: {  	s7 =	smul.u32 @!p0 $0xF7A, s2;
	p2 =	seq.s32 @!p0 s5, $0x0  }
0x1f: {  	s9 =	smul.u32 $0xF7A, s1;
	s8 =	simm.s32 @!p0 $0x1BF5;
	p2 =	por !p2, p0  }
0x20: {  	[sflag:s8] =	ssyncset.s32 @!p0 $0xFFFFF086;
	s6 =	sadd.s32 @!p0 s3, s7;
	s7 =	simm.s32 @!p0 $0x108  }
0x21: {  	s3 =	sadd.s32 s3, s9;
	s6 =	sadd.s32 @!p0 $0x88, s6;
	s7 =	simm.s32 @p2 $0x1082  }
0x22: {  	[simem:s7], [sflag:s8] =	dma.local @!p0 [hbm:s6], $0xF7A  }
0x23: {  	s9 =	sor.u32 $0xD0000000, s2;
	s6 =	simm.s32 $0x108;
	_ =	swait.ge @!p0 [sflag:s8], $0x0  }
0x24: {  	s3 =	sadd.s32 $0x88, s3;
	s6 =	simm.s32 @!p1 $0x1082;
	[sflag:s4] =	ssyncset.s32 $0xFFFFF086  }
0x25: {  	[simem:s6], [sflag:s4] =	dma.local [hbm:s3], $0xF7A  }
0x26: {  	[smem:$0x3F99] =	sst s1;
	(tag) =	ssettag s2;
	_ =	strace s9  }
0x27: {  	s1 =	sld [smem:$0x3FA9]  }
0x28: {  	s2 =	sld [smem:$0x3FAA]  }
0x29: {  	s4 =	sld [smem:$0x3FAC]  }
0x2a: {  	p0 =	seq.s32 s5, $0x0;
	s5 =	sld [smem:$0x3FAD]  }
0x2b: {  	s6 =	sld [smem:$0x3FAE]  }
0x2c: {  	s7 =	sld [smem:$0x3FAF]  }
0x2d: {  	s3 =	simm.s32 $0x108;
	s8 =	sld [smem:$0x3FB0]  }
0x2e: {  	s3 =	simm.s32 @!p0 $0x1082;
	s9 =	sld [smem:$0x3FB1]  }
0x2f: {  	lr =	sadd.s32 s0, s3;
	s0 =	sld [smem:$0x3FA8]  }
0x30: {  	s3 =	sld [smem:$0x3FAB]  }
0x31: {  	[smem:$0x3FB4] =	sst s10  }
0x32: {  	s10 =	sld [smem:$0x3FB2];
	_ =	sdelay $0x3  }
0x33: {  	p0 =	seq.s32 s10, $0x1;
	s10 =	sld [smem:$0x3FB4];
	_ =	sdelay $0x3  }
0x34: {  	[smem:$0x3FB4] =	sst s10  }
0x35: {  	s10 =	sld [smem:$0x3FB3];
	_ =	sdelay $0x3  }
0x36: {  	p1 =	seq.s32 s10, $0x1;
	s10 =	sld [smem:$0x3FB4];
	_ =	sdelay $0x3  }
0x37: {  	[smem:$0x3FB4] =	sst s10  }
0x38: {  	s10 =	sld [smem:$0x3FB5]  }
0x39: {  	_ = 	snop;
	(pc) =	sbr.ind lr, $3  }
0x3a: {  	_ = 	snop  }
0x3b: {  	_ = 	snop  }
0x3c: {  	p2 =	seq.s32 s10, $0x1;
	s10 =	sld [smem:$0x3FB4]  }
0x3d: {  	_ =	shalt  }
0x3e: {  	_ =	shalt  }
0x3f: {  	_ =	shalt  }
0x40: {  	_ =	shalt  }
0x41: {  	_ =	shalt  }
0x42: {  	_ =	shalt  }
0x43: {  	_ =	shalt  }
0x44: {  	_ =	shalt  }
0x45: {  	_ =	shalt  }
0x46: {  	_ =	shalt  }
0x47: {  	_ =	shalt  }
0x48: {  	_ =	shalt  }
0x49: {  	_ =	shalt  }
0x4a: {  	_ =	shalt  }
0x4b: {  	_ =	shalt  }
0x4c: {  	_ =	shalt  }
0x4d: {  	_ =	shalt  }
0x4e: {  	_ =	shalt  }
0x4f: {  	_ =	shalt  }
0x50: {  	_ =	shalt  }
0x51: {  	_ =	shalt  }
0x52: {  	_ =	shalt  }
0x53: {  	_ =	shalt  }
0x54: {  	_ =	shalt  }
0x55: {  	_ =	shalt  }
0x56: {  	_ =	shalt  }
0x57: {  	_ =	shalt  }
0x58: {  	_ =	shalt  }
0x59: {  	_ =	shalt  }
0x5a: {  	_ =	shalt  }
0x5b: {  	_ =	shalt  }
0x5c: {  	_ =	shalt  }
0x5d: {  	_ =	shalt  }
0x5e: {  	_ =	shalt  }
0x5f: {  	_ =	shalt  }
0x60: {  	_ =	shalt  }
0x61: {  	_ =	shalt  }
0x62: {  	_ =	shalt  }
0x63: {  	_ =	shalt  }
0x64: {  	_ =	shalt  }
0x65: {  	_ =	shalt  }
0x66: {  	_ =	shalt  }
0x67: {  	_ =	shalt  }
0x68: {  	_ =	shalt  }
0x69: {  	_ =	shalt  }
0x6a: {  	_ =	shalt  }
0x6b: {  	_ =	shalt  }
0x6c: {  	_ =	shalt  }
0x6d: {  	_ =	shalt  }
0x6e: {  	_ =	shalt  }
0x6f: {  	_ =	shalt  }
0x70: {  	_ =	shalt  }
0x71: {  	_ =	shalt  }
0x72: {  	_ =	shalt  }
0x73: {  	_ =	shalt  }
0x74: {  	_ =	shalt  }
0x75: {  	_ =	shalt  }
0x76: {  	_ =	shalt  }
0x77: {  	_ =	shalt  }
0x78: {  	_ =	shalt  }
0x79: {  	_ =	shalt  }
0x7a: {  	_ =	shalt  }
0x7b: {  	_ =	shalt  }
0x7c: {  	_ =	shalt  }
0x7d: {  	_ =	shalt  }
0x7e: {  	_ =	shalt  }
0x7f: {  	_ =	shalt  }
0x80: {  	_ =	shalt  }
0x81: {  	_ =	shalt  }
0x82: {  	_ =	shalt  }
0x83: {  	_ =	shalt  }
0x84: {  	_ =	shalt  }
0x85: {  	_ =	shalt  }
0x86: {  	_ =	shalt  }
0x87: {  	_ =	shalt  }
.Lfunc_end0:
.L_simem_size_0:
called_computation_lowered:
.L_overlay_start_0:
0x88: {  	s2 =	sld [smem:$0x3FD9]  }
0x89: {  	s3 =	sld [smem:$0x3FFE];
	_ =	sdelay $0x1  }
0x8a: {  	s1 =	srdreg.scid  }
0x8b: {  	s0 =	sand.u32 $0x1, s1  }
0x8c: {  	s17 =	sshll.u32 s0, $0xA;
	s2 =	sadd.s32 s3, s2  }
0x8d: {  	s2 =	sadd.s32 s2, s17  }
0x8e: {  	[smem:$0x3FC0] =	sst s2  }
0x8f: {  	_ = 	snop  }
0x90: {  	s2 =	sld [smem:$0x3FD0];
	(tm) =	ssettm $0x1  }
0x91: {  	s18 =	sld [smem:$0x3FFB];
	_ =	sdelay $0x3  }
0x92: {  	_ =	strace s18  }
0x93: {  	s3 =	sld [smem:$0x3FFC];
	_ =	sdelay $0x3  }
0x94: {  	_ =	strace s3  }
0x95: {  	s3 =	sld [smem:$0x3FFD];
	_ =	sdelay $0x3  }
0x96: {  	_ =	strace s3  }
0x97: {  	_ =	strace $0x8FFFFFFF  }
0x98: {  	s19 =	sld [smem:$0x3FDB];
	_ =	sdelay $0x1  }
0x99: {  	s4 =	simm.s32 $_scs_section_size  }
0x9a: {  	s5 =	simm.s32 $_size__tile_overlayer_lowered;
	s6 =	simm.s32 $_tile_overlayer_lowered  }
0x9b: {  	s22 =	simm.s32 $0x1BFF;
	s21 =	sshll.u32 s6, $0x1;
	s3 =	sadd.s32 s4, s19  }
0x9c: {  	s7 =	simm.s32 $0x0;
	s20 =	sshll.u32 s5, $0x1;
	s5 =	sadd.s32 s21, s3  }
0x9d: {  	[timem:s7], [sflag:s22] =	dma.local [hbm:s5], s20  }
0x9e: {  	_ =	swait.ge [sflag:s22], s20  }
0x9f: {  	s4 =	ssub.s32 $0x0, s20;
	[sflag:s22] =	ssyncset.done $0x0  }
0xa0: {  	[sflag:s22] =	ssyncadd.s32 s4;
	_ =	sdelay $0x1  }
0xa1: {  	s23 =	simm.s32 $0x1B8B  }
0xa2: {  	_ =	swait.ge [sflag:s23], $0x1  }
0xa3: {  	[sflag:s23] =	ssyncset.done $0x0  }
0xa4: {  	s25 =	simm.s32 $0x1B8E;
	s24 =	sld [smem:$0x3FFE];
	[sflag:s23] =	ssyncadd.s32 $0xFFFFFFFF  }
0xa5: {  	s26 =	simm.s32 $execute0_lowered;
	[smem:$0x3FD2] =	sst s25  }
0xa6: {  	s5 =	sshll.u32 s26, $0x1;
	_ =	strace $0x80000046;
	[dreg:$0x1] =	wrdreg $0xFFFFFFFF  }
0xa7: {  	s28 =	simm.s32 $_size_execute0_lowered;
	s3 =	sadd.s32 s3, s5;
	[dreg:$0x0] =	wrdreg $0x0  }
0xa8: {  	s5 =	sshll.u32 s28, $0x1;
	[dreg:$0x2] =	wrdreg s3  }
0xa9: {  	[dreg:$0x3] =	wrdreg s5  }
0xaa: {  	[dreg:$0x4] =	wrdreg $0xC0  }
0xab: {  	_ =	task [dreg:s7], $0x5FFFF  }
0xac: {  	[dreg:$0x1] =	wrdreg $0xFFFFFFFF  }
0xad: {  	[dreg:$0x0] =	wrdreg $0x60  }
0xae: {  	[dreg:$0x2] =	wrdreg s24  }
0xaf: {  	[dreg:$0x3] =	wrdreg s2  }
0xb0: {  	[dreg:$0x4] =	wrdreg $0x40800  }
0xb1: {  	[dreg:$0x5] =	wrdreg $0x9  }
0xb2: {  	_ =	task.clear_ibuf [dreg:s7], $0x6FFFF;
	_ =	strace $0x90000046  }
0xb3: {  	s29 =	simm.s32 $0x9;
	_ =	strace $0x80000048  }
0xb4: {  	_ =	swait.ge [sflag:s29], $0x1  }
0xb5: {  	[sflag:s29] =	ssyncadd.s32 $0xFFFFFFFF  }
0xb6: {  	_ =	strace $0x90000048  }
0xb7: {  	_ =	sfence  }
0xb8: {  	s30 =	sld [smem:$0x0];
	_ =	sdelay $0x2  }
0xb9: {  	s31 =	sshll.u32 s1, $0xD;
	s1 =	sshrl.u32 s1, $0x2  }
0xba: {  	s3 =	sand.u32 $0x4000, s31;
	s1 =	sadd.s32 s1, s30  }
0xbb: {  	s0 =	sor.u32 s3, s0;
	s1 =	sshll.u32 s1, $0x11  }
0xbc: {  	s0 =	sor.u32 s1, s0  }
0xbd: {  	s0 =	sadd.s32 $0x8F2B, s0  }
0xbe: {  	[sflag:s0] =	ssyncadd.remote.s32 $0x1  }
0xbf: {  	_ =	sfence.sel $0xFFFF  }
0xc0: {  	[dreg:$0x0] =	wrdreg $0xFFFFFFFF;
	(pc) =	sbr.abs _section_cstart, $3  }
0xc1: {  	[dreg:$0x1] =	wrdreg $0xFFFFFFFF  }
0xc2: {  	_ =	task.clear_ibuf [dreg:s7], $0x2FFFF;
	_ =	strace $0x9FFFFFFF  }
0xc3: {  	(tm) =	ssettm $0x7FFFFFFF  }
tec
execute0_lowered:
.L_overlay_start_1:
0x0: {  	(tag) =	ssettag $0x1  }
0x1: {  	s5 =	rddreg [dreg:$0x0]  }
0x2: {  	s2 =	rddreg [dreg:$0x1]  }
0x3: {  	s3 =	rddreg [dreg:$0x2]  }
0x4: {  	s0 =	rddreg [dreg:$0x3];
	s1 =	stileid.u32  }
0x5: {  	s7 =	srdreg.scid;
	s6 =	smul.u32 $0x13C00, s1  }
0x6: {  	s4 =	simm.s32 $0x0;
	s13 =	simm.s32 $0x0;
	s8 =	smul.u32 $0xA00, s1  }
0x7: {  	s7 =	sand.u32 $0x1, s7;
	[smem:$0x7FF] =	sst s4;
	s11 =	smul.u32 $0x4F000, s1  }
0x8: {  	s31 =	sshll.u32 s1, $0x6;
	s10 =	smul.u32 $0x13C000, s7;
	_ =	strace $0x80000047  }
0x9: {  	s28 =	ssub.s32 $0x2, s7;
	s7 =	smul.u32 $0x500, s7;
	s9 =	sshrl.u32 s6, $0x3  }
0xa: {  	s8 =	sadd.s32 s8, s5;
	s12 =	sshrl.u32 s28, $0x1;
	s29 =	sshrl.u32 s11, $0x2  }
0xb: {  	s11 =	sor.u32 $0x1C01, s31;
	s9 =	sadd.s32 s9, s5;
	s6 =	sadd.s32 s6, s10  }
0xc: {  	s10 =	ssub.s32 s28, s12;
	s30 =	sadd.s32 s29, s3;
	s8 =	sadd.s32 s7, s8  }
0xd: {  	s6 =	sshrl.u32 s6, $0x3;
	s7 =	smax.u32 s10, $0x1;
	s8 =	sadd.s32 $0x3600, s8  }
0xe: {  	s10 =	simm.s32 $0x1;
	s12 =	sshrl.u32 s30, $0x3;
	s6 =	sadd.s32 s6, s5  }
0xf: {  	s5 =	sadd.s32 $0x17600, s9;
	s9 =	simm.s32 $0x80;
	s6 =	sadd.s32 $0x3EE00, s6  }
.LBB2_1:
0x10: {  	[tilespmem:s9], [sflag:$0x1] =	stream.linear.gather [hbm4b:s2+s4], $0x4000, $0x38;
	[tilespmem:$0x17C80] =	vst v63  }
0x11: {  	_ =	swait.ge [sflag:s10], $0x4000  }
0x12: {  	[sflag:s10] =	ssyncset.done $0x0  }
0x13: {  	[sflag:s10] =	ssyncadd.s32 $0xFFFFC000  }
0x14: {  	[spmem:s12], [sflag:s11] =	dma.local [hbm:s5], $0x2780  }
0x15: {  	_ =	swait.ge [sflag:s10], $0x2780  }
0x16: {  	[sflag:s10] =	ssyncset.done $0x0  }
0x17: {  	[sflag:s10] =	ssyncadd.s32 $0xFFFFD880  }
0x18: {  	s14 =	sadd.s32 $0x0, s8;
	[bflag:$0x0] =	sbarrier.arrive $0xFFFF  }
0x19: {  	[tilespmem:s4], [sflag:$0x1] =	stream.linear.gather [hbm4b:s14+s4], $0x80, $0x38;
	[tilespmem:$0x17C80] =	vst v63  }
0x1a: {  	_ =	swait.ge [sflag:s10], $0x80  }
0x1b: {  	[sflag:s10] =	ssyncset.done $0x0  }
0x1c: {  	[sflag:s10] =	ssyncadd.s32 $0xFFFFFF80  }
0x1d: {  	[spmem:s3] =	stream.indirect.scatter.add.f32 [tilespmem:s9], [sflag:$0x1], $0x80, s4, s9, $0xb8;
	[tilespmem:$0x17C80] =	vst v63  }
0x1e: {  	_ =	swait.ge [sflag:s10], $0x4000  }
0x1f: {  	s15 =	simm.s32 $0x20;
	s14 =	simm.s32 $0x10;
	[sflag:s10] =	ssyncset.done $0x0  }
.LBB2_2:
0x20: {  	s16 =	sadd.s32 s14, s8  }
0x21: {  	[sflag:s10] =	ssyncadd.s32 $0xFFFFC000;
	s14 =	smov.u32 s15;
	s17 =	sadd.s32 $0x10, s15  }
0x22: {  	[tilespmem:s4], [sflag:$0x1] =	stream.linear.gather [hbm4b:s16+s4], $0x80, $0x38;
	[tilespmem:$0x17C80] =	vst v63  }
0x23: {  	p0 =	sne.s32 s15, $0x4F0;
	_ =	swait.ge [sflag:s10], $0x80  }
.Ltmp0:
0x24: {  	[sflag:s10] =	ssyncset.done $0x0;
	(pc) =	sbr.rel @p0 .LBB2_2-.Ltmp0, $4  }
0x25: {  	[sflag:s10] =	ssyncadd.s32 $0xFFFFFF80  }
0x26: {  	[spmem:s3] =	stream.indirect.scatter.add.f32 [tilespmem:s9], [sflag:$0x1], $0x80, s4, s9, $0xb8;
	[tilespmem:$0x17C80] =	vst v63  }
0x27: {  	_ =	swait.ge [sflag:s10], $0x4000  }
0x28: {  	s15 =	smov.u32 s17;
	[sflag:s10] =	ssyncset.done $0x0  }
0x29: {  	s14 =	sadd.s32 s14, s8;
	[sflag:s10] =	ssyncadd.s32 $0xFFFFC000  }
0x2a: {  	[tilespmem:s4], [sflag:$0x1] =	stream.linear.gather [hbm4b:s14+s4], $0x80, $0x38;
	[tilespmem:$0x17C80] =	vst v63  }
0x2b: {  	_ =	swait.ge [sflag:s10], $0x80  }
0x2c: {  	[sflag:s10] =	ssyncset.done $0x0  }
0x2d: {  	[sflag:s10] =	ssyncadd.s32 $0xFFFFFF80  }
0x2e: {  	[spmem:s3] =	stream.indirect.scatter.add.f32 [tilespmem:s9], [sflag:$0x1], $0x80, s4, s9, $0xb8;
	[tilespmem:$0x17C80] =	vst v63  }
0x2f: {  	_ =	swait.ge [sflag:s10], $0x4000  }
0x30: {  	s13 =	sadd.s32 $0x1, s13;
	[sflag:s10] =	ssyncset.done $0x0  }
0x31: {  	p0 =	sne.s32 s13, s7;
	[sflag:s10] =	ssyncadd.s32 $0xFFFFC000  }
.Ltmp1:
0x32: {  	[bflag:$0x0] =	sbarrier.arrive $0xFFFF;
	(pc) =	sbr.rel @p0 .LBB2_1-.Ltmp1, $4  }
0x33: {  	[hbm:s6], [sflag:s11] =	dma.local [spmem:s12], $0x2780  }
0x34: {  	_ =	swait.ge [sflag:s10], $0x2780  }
0x35: {  	[sflag:s10] =	ssyncset.done $0x0  }
0x36: {  	[sflag:s10] =	ssyncadd.s32 $0xFFFFD880  }
0x37: {  	_ =	sfence.sel $0x180000  }
0x38: {  	[bflag:$0x0] =	sbarrier.arrive $0xFFFF  }
0x39: {  	p0 =	sne.s32 s1, $0x0;
	_ =	strace $0x90000047  }
0x3a: {  	s0 =	sadd.s32 @!p0 $0x100000, s0;
	[bflag:$0x2] =	sbarrier.arrive $0xFFFF  }
0x3b: {  	[sflag:s0] =	ssyncadd.tile.s32 @!p0 $0x1;
	_ =	shalt  }
.Lfunc_end2:
_tile_overlayer_lowered:
.L_overlay_start_2:
0x3c: {  	(tag) =	ssettag $0x2  }
0x3d: {  	s0 =	rddreg [dreg:$0x0];
	s2 =	stileid.u32  }
0x3e: {  	s1 =	rddreg [dreg:$0x1];
	p0 =	sne.s32 s2, $0x0  }
0x3f: {  	s3 =	rddreg [dreg:$0x2];
	[bflag:$0x3] =	sbarrier.arrive $0xFFFF;
	s2 =	simm.s32 @!p0 $0x1C01  }
0x40: {  	[timem:s3], [sflag:s2] =	dma.local @!p0 [hbm:s0], s1  }
0x41: {  	s0 =	simm.s32 @!p0 $0x1  }
0x42: {  	_ =	swait.ge @!p0 [sflag:s0], s1  }
0x43: {  	s1 =	ssub.s32 @!p0 $0x0, s1;
	[sflag:s0] =	ssyncset.done @!p0 $0x0  }
0x44: {  	[sflag:s0] =	ssyncadd.s32 @!p0 s1  }
0x45: {  	[bflag:$0x3] =	sbarrier.arrive $0xFFFF  }
0x46: {  	_ =	shalt  }

// kernel: kernel.13.cloned.1.call-start
scs
__scs_entry_jumppad:
0x0: {  	(pc) =	sbr.rel $0x88, $3  }
0x1: {  	(tag) =	ssettag $0x0;
	lr =	simm.s32 $0x1  }
0x2: {  	[smem:$0x3F99] =	sst lr;
	_ =	strace $0xD0000000  }
0x3: {  	_ = 	snop  }
0x4: {  	_ = 	snop  }
0x5: {  	_ = 	snop  }
0x6: {  	_ = 	snop  }
0x7: {  	_ = 	snop  }
__scs_overlays_trampoline_lowered:
0x8: {  	[smem:$0x3FA8] =	sst s0  }
0x9: {  	[smem:$0x3FA9] =	sst s1  }
0xa: {  	[smem:$0x3FAA] =	sst s2  }
0xb: {  	[smem:$0x3FAB] =	sst s3  }
0xc: {  	[smem:$0x3FAC] =	sst s4  }
0xd: {  	[smem:$0x3FAD] =	sst s5  }
0xe: {  	[smem:$0x3FAE] =	sst s6  }
0xf: {  	[smem:$0x3FAF] =	sst s7  }
0x10: {  	[smem:$0x3FB0] =	sst s8  }
0x11: {  	[smem:$0x3FB1] =	sst s9;
	s0 =	simm.s32 @!p0 $0x0  }
0x12: {  	s1 =	sld [smem:$0x3F97];
	s0 =	simm.s32 @p0 $0x1  }
0x13: {  	[smem:$0x3FB2] =	sst s0;
	s0 =	simm.s32 @!p1 $0x0  }
0x14: {  	s2 =	sld [smem:$0x3F96];
	s0 =	simm.s32 @p1 $0x1  }
0x15: {  	[smem:$0x3FB3] =	sst s0;
	s0 =	simm.s32 @!p2 $0x0  }
0x16: {  	s3 =	sld [smem:$0x3FDB];
	s0 =	simm.s32 @p2 $0x1  }
0x17: {  	s4 =	simm.s32 $0x1BF5;
	[smem:$0x3FB5] =	sst s0  }
0x18: {  	s0 =	sld [smem:$0x3F98];
	_ =	swait.ge [sflag:s4], $0x0  }
0x19: {  	s7 =	sld [smem:$0x3F99]  }
0x1a: {  	s8 =	sadd.s32 $0xFFFFE003, lr  }
0x1b: {  	s9 =	sadd.s32 $0xFFFFFEF7, lr;
	s5 =	simm.s32 $0xFFFFFFFF;
	p2 =	slt.u32 s8, $0xFFFFF086  }
0x1c: {  	p1 =	slt.u32 s9, $0xF7A;
	s5 =	simm.s32 @!p2 $0x0  }
0x1d: {  	s5 =	simm.s32 @p1 $0x1;
	p0 =	seq.s32 s7, s2  }
0x1e: {  	s7 =	smul.u32 @!p0 $0xF7A, s2;
	p2 =	seq.s32 @!p0 s5, $0x0  }
0x1f: {  	s9 =	smul.u32 $0xF7A, s1;
	s8 =	simm.s32 @!p0 $0x1BF5;
	p2 =	por !p2, p0  }
0x20: {  	[sflag:s8] =	ssyncset.s32 @!p0 $0xFFFFF086;
	s6 =	sadd.s32 @!p0 s3, s7;
	s7 =	simm.s32 @!p0 $0x108  }
0x21: {  	s3 =	sadd.s32 s3, s9;
	s6 =	sadd.s32 @!p0 $0x88, s6;
	s7 =	simm.s32 @p2 $0x1082  }
0x22: {  	[simem:s7], [sflag:s8] =	dma.local @!p0 [hbm:s6], $0xF7A  }
0x23: {  	s9 =	sor.u32 $0xD0000000, s2;
	s6 =	simm.s32 $0x108;
	_ =	swait.ge @!p0 [sflag:s8], $0x0  }
0x24: {  	s3 =	sadd.s32 $0x88, s3;
	s6 =	simm.s32 @!p1 $0x1082;
	[sflag:s4] =	ssyncset.s32 $0xFFFFF086  }
0x25: {  	[simem:s6], [sflag:s4] =	dma.local [hbm:s3], $0xF7A  }
0x26: {  	[smem:$0x3F99] =	sst s1;
	(tag) =	ssettag s2;
	_ =	strace s9  }
0x27: {  	s1 =	sld [smem:$0x3FA9]  }
0x28: {  	s2 =	sld [smem:$0x3FAA]  }
0x29: {  	s4 =	sld [smem:$0x3FAC]  }
0x2a: {  	p0 =	seq.s32 s5, $0x0;
	s5 =	sld [smem:$0x3FAD]  }
0x2b: {  	s6 =	sld [smem:$0x3FAE]  }
0x2c: {  	s7 =	sld [smem:$0x3FAF]  }
0x2d: {  	s3 =	simm.s32 $0x108;
	s8 =	sld [smem:$0x3FB0]  }
0x2e: {  	s3 =	simm.s32 @!p0 $0x1082;
	s9 =	sld [smem:$0x3FB1]  }
0x2f: {  	lr =	sadd.s32 s0, s3;
	s0 =	sld [smem:$0x3FA8]  }
0x30: {  	s3 =	sld [smem:$0x3FAB]  }
0x31: {  	[smem:$0x3FB4] =	sst s10  }
0x32: {  	s10 =	sld [smem:$0x3FB2];
	_ =	sdelay $0x3  }
0x33: {  	p0 =	seq.s32 s10, $0x1;
	s10 =	sld [smem:$0x3FB4];
	_ =	sdelay $0x3  }
0x34: {  	[smem:$0x3FB4] =	sst s10  }
0x35: {  	s10 =	sld [smem:$0x3FB3];
	_ =	sdelay $0x3  }
0x36: {  	p1 =	seq.s32 s10, $0x1;
	s10 =	sld [smem:$0x3FB4];
	_ =	sdelay $0x3  }
0x37: {  	[smem:$0x3FB4] =	sst s10  }
0x38: {  	s10 =	sld [smem:$0x3FB5]  }
0x39: {  	_ = 	snop;
	(pc) =	sbr.ind lr, $3  }
0x3a: {  	_ = 	snop  }
0x3b: {  	_ = 	snop  }
0x3c: {  	p2 =	seq.s32 s10, $0x1;
	s10 =	sld [smem:$0x3FB4]  }
0x3d: {  	_ =	shalt  }
0x3e: {  	_ =	shalt  }
0x3f: {  	_ =	shalt  }
0x40: {  	_ =	shalt  }
0x41: {  	_ =	shalt  }
0x42: {  	_ =	shalt  }
0x43: {  	_ =	shalt  }
0x44: {  	_ =	shalt  }
0x45: {  	_ =	shalt  }
0x46: {  	_ =	shalt  }
0x47: {  	_ =	shalt  }
0x48: {  	_ =	shalt  }
0x49: {  	_ =	shalt  }
0x4a: {  	_ =	shalt  }
0x4b: {  	_ =	shalt  }
0x4c: {  	_ =	shalt  }
0x4d: {  	_ =	shalt  }
0x4e: {  	_ =	shalt  }
0x4f: {  	_ =	shalt  }
0x50: {  	_ =	shalt  }
0x51: {  	_ =	shalt  }
0x52: {  	_ =	shalt  }
0x53: {  	_ =	shalt  }
0x54: {  	_ =	shalt  }
0x55: {  	_ =	shalt  }
0x56: {  	_ =	shalt  }
0x57: {  	_ =	shalt  }
0x58: {  	_ =	shalt  }
0x59: {  	_ =	shalt  }
0x5a: {  	_ =	shalt  }
0x5b: {  	_ =	shalt  }
0x5c: {  	_ =	shalt  }
0x5d: {  	_ =	shalt  }
0x5e: {  	_ =	shalt  }
0x5f: {  	_ =	shalt  }
0x60: {  	_ =	shalt  }
0x61: {  	_ =	shalt  }
0x62: {  	_ =	shalt  }
0x63: {  	_ =	shalt  }
0x64: {  	_ =	shalt  }
0x65: {  	_ =	shalt  }
0x66: {  	_ =	shalt  }
0x67: {  	_ =	shalt  }
0x68: {  	_ =	shalt  }
0x69: {  	_ =	shalt  }
0x6a: {  	_ =	shalt  }
0x6b: {  	_ =	shalt  }
0x6c: {  	_ =	shalt  }
0x6d: {  	_ =	shalt  }
0x6e: {  	_ =	shalt  }
0x6f: {  	_ =	shalt  }
0x70: {  	_ =	shalt  }
0x71: {  	_ =	shalt  }
0x72: {  	_ =	shalt  }
0x73: {  	_ =	shalt  }
0x74: {  	_ =	shalt  }
0x75: {  	_ =	shalt  }
0x76: {  	_ =	shalt  }
0x77: {  	_ =	shalt  }
0x78: {  	_ =	shalt  }
0x79: {  	_ =	shalt  }
0x7a: {  	_ =	shalt  }
0x7b: {  	_ =	shalt  }
0x7c: {  	_ =	shalt  }
0x7d: {  	_ =	shalt  }
0x7e: {  	_ =	shalt  }
0x7f: {  	_ =	shalt  }
0x80: {  	_ =	shalt  }
0x81: {  	_ =	shalt  }
0x82: {  	_ =	shalt  }
0x83: {  	_ =	shalt  }
0x84: {  	_ =	shalt  }
0x85: {  	_ =	shalt  }
0x86: {  	_ =	shalt  }
0x87: {  	_ =	shalt  }
.Lfunc_end0:
.L_simem_size_0:
called_computation.1_lowered:
.L_overlay_start_0:
0x88: {  	s2 =	sld [smem:$0x3FD9]  }
0x89: {  	s3 =	sld [smem:$0x3FFE];
	_ =	sdelay $0x1  }
0x8a: {  	s1 =	srdreg.scid  }
0x8b: {  	s0 =	sand.u32 $0x1, s1  }
0x8c: {  	s17 =	sshll.u32 s0, $0xA;
	s2 =	sadd.s32 s3, s2  }
0x8d: {  	s2 =	sadd.s32 s2, s17  }
0x8e: {  	[smem:$0x3FC0] =	sst s2  }
0x8f: {  	_ = 	snop  }
0x90: {  	s2 =	sld [smem:$0x3FD0];
	(tm) =	ssettm $0x1  }
0x91: {  	s18 =	sld [smem:$0x3FFB];
	_ =	sdelay $0x3  }
0x92: {  	_ =	strace s18  }
0x93: {  	s3 =	sld [smem:$0x3FFC];
	_ =	sdelay $0x3  }
0x94: {  	_ =	strace s3  }
0x95: {  	s3 =	sld [smem:$0x3FFD];
	_ =	sdelay $0x3  }
0x96: {  	_ =	strace s3  }
0x97: {  	_ =	strace $0x8FFFFFFF  }
0x98: {  	s19 =	sld [smem:$0x3FDB];
	_ =	sdelay $0x1  }
0x99: {  	s4 =	simm.s32 $_scs_section_size  }
0x9a: {  	s5 =	simm.s32 $_size__tile_overlayer_lowered;
	s6 =	simm.s32 $_tile_overlayer_lowered  }
0x9b: {  	s22 =	simm.s32 $0x1BFF;
	s21 =	sshll.u32 s6, $0x1;
	s3 =	sadd.s32 s4, s19  }
0x9c: {  	s7 =	simm.s32 $0x0;
	s20 =	sshll.u32 s5, $0x1;
	s5 =	sadd.s32 s21, s3  }
0x9d: {  	[timem:s7], [sflag:s22] =	dma.local [hbm:s5], s20  }
0x9e: {  	_ =	swait.ge [sflag:s22], s20  }
0x9f: {  	s4 =	ssub.s32 $0x0, s20;
	[sflag:s22] =	ssyncset.done $0x0  }
0xa0: {  	[sflag:s22] =	ssyncadd.s32 s4;
	_ =	sdelay $0x1  }
0xa1: {  	s23 =	simm.s32 $0x1B8B  }
0xa2: {  	_ =	swait.ge [sflag:s23], $0x1  }
0xa3: {  	[sflag:s23] =	ssyncset.done $0x0  }
0xa4: {  	s25 =	simm.s32 $0x1B8E;
	s24 =	sld [smem:$0x3FFE];
	[sflag:s23] =	ssyncadd.s32 $0xFFFFFFFF  }
0xa5: {  	s26 =	simm.s32 $execute0_lowered;
	[smem:$0x3FD2] =	sst s25  }
0xa6: {  	s5 =	sshll.u32 s26, $0x1;
	_ =	strace $0x80000049;
	[dreg:$0x1] =	wrdreg $0xFFFFFFFF  }
0xa7: {  	s28 =	simm.s32 $_size_execute0_lowered;
	s3 =	sadd.s32 s3, s5;
	[dreg:$0x0] =	wrdreg $0x0  }
0xa8: {  	s5 =	sshll.u32 s28, $0x1;
	[dreg:$0x2] =	wrdreg s3  }
0xa9: {  	[dreg:$0x3] =	wrdreg s5  }
0xaa: {  	[dreg:$0x4] =	wrdreg $0xC0  }
0xab: {  	_ =	task [dreg:s7], $0x5FFFF  }
0xac: {  	[dreg:$0x1] =	wrdreg $0xFFFFFFFF  }
0xad: {  	[dreg:$0x0] =	wrdreg $0x60  }
0xae: {  	[dreg:$0x2] =	wrdreg s2  }
0xaf: {  	[dreg:$0x3] =	wrdreg s24  }
0xb0: {  	[dreg:$0x4] =	wrdreg $0x82000  }
0xb1: {  	[dreg:$0x5] =	wrdreg $0x9  }
0xb2: {  	_ =	task.clear_ibuf [dreg:s7], $0x6FFFF;
	_ =	strace $0x90000049  }
0xb3: {  	s29 =	simm.s32 $0x9;
	_ =	strace $0x8000004B  }
0xb4: {  	_ =	swait.ge [sflag:s29], $0x1  }
0xb5: {  	[sflag:s29] =	ssyncadd.s32 $0xFFFFFFFF  }
0xb6: {  	_ =	strace $0x9000004B  }
0xb7: {  	_ =	sfence  }
0xb8: {  	s30 =	sld [smem:$0x0];
	_ =	sdelay $0x2  }
0xb9: {  	s31 =	sshll.u32 s1, $0xD;
	s1 =	sshrl.u32 s1, $0x2  }
0xba: {  	s3 =	sand.u32 $0x4000, s31;
	s1 =	sadd.s32 s1, s30  }
0xbb: {  	s0 =	sor.u32 s3, s0;
	s1 =	sshll.u32 s1, $0x11  }
0xbc: {  	s0 =	sor.u32 s1, s0  }
0xbd: {  	s0 =	sadd.s32 $0x8F2B, s0  }
0xbe: {  	[sflag:s0] =	ssyncadd.remote.s32 $0x1  }
0xbf: {  	_ =	sfence.sel $0xFFFF  }
0xc0: {  	[dreg:$0x0] =	wrdreg $0xFFFFFFFF;
	(pc) =	sbr.abs _section_cstart, $3  }
0xc1: {  	[dreg:$0x1] =	wrdreg $0xFFFFFFFF  }
0xc2: {  	_ =	task.clear_ibuf [dreg:s7], $0x2FFFF;
	_ =	strace $0x9FFFFFFF  }
0xc3: {  	(tm) =	ssettm $0x7FFFFFFF  }
tec
execute0_lowered:
.L_overlay_start_1:
0x0: {  	(tag) =	ssettag $0x1  }
0x1: {  	s1 =	rddreg [dreg:$0x0]  }
0x2: {  	s5 =	rddreg [dreg:$0x1]  }
0x3: {  	s3 =	rddreg [dreg:$0x2]  }
0x4: {  	s0 =	rddreg [dreg:$0x3]  }
0x5: {  	s4 =	simm.s32 $0x0;
	s2 =	stileid.u32;
	s6 =	srdreg.scid  }
0x6: {  	s16 =	simm.s32 $0x80;
	s17 =	simm.s32 $0x200;
	s18 =	simm.s32 $0x180  }
0x7: {  	s19 =	simm.s32 $0x4200;
	s20 =	simm.s32 $0x1;
	s21 =	simm.s32 $0x2  }
0x8: {  	s22 =	simm.s32 $0x3;
	s23 =	simm.s32 $0x4;
	s7 =	smul.u32 $0x13C00, s2  }
0x9: {  	s24 =	simm.s32 $0x0;
	[smem:$0x7FF] =	sst s4;
	s10 =	smul.u32 $0x4F000, s2  }
0xa: {  	s6 =	sand.u32 $0x1, s6;
	s12 =	sadd.s32 $0xD600, s5;
	s26 =	smul.u32 $0x5000, s2  }
0xb: {  	s11 =	sadd.s32 $0x3600, s5;
	s30 =	sshll.u32 s2, $0x6;
	s8 =	smul.u32 $0x13C000, s6  }
0xc: {  	_ =	strace $0x8000004A;
	s13 =	ssub.s32 $0x2, s6;
	s6 =	smul.u32 $0x2800, s6  }
0xd: {  	s9 =	sshrl.u32 s7, $0x3;
	s28 =	sshrl.u32 s13, $0x1;
	s10 =	sshrl.u32 s10, $0x2  }
0xe: {  	s9 =	sadd.s32 s9, s5;
	s7 =	sadd.s32 s7, s8;
	s13 =	ssub.s32 s13, s28  }
0xf: {  	s14 =	sadd.s32 s10, s3;
	s29 =	sadd.s32 s6, s26;
	s6 =	sor.u32 $0x1C05, s30  }
0x10: {  	s7 =	sshrl.u32 s7, $0x3;
	s8 =	sor.u32 $0x80, s29;
	s31 =	sshrl.u32 s29, $0x3  }
0x11: {  	s7 =	sadd.s32 s7, s5;
	s5 =	sadd.s32 $0x17600, s9;
	s15 =	sshrl.u32 s8, $0x3  }
0x12: {  	s8 =	smax.u32 s13, $0x1;
	s13 =	sshrl.u32 s14, $0x3;
	s14 =	simm.s32 $0x5  }
0x13: {  	s7 =	sadd.s32 $0x8DE00, s7;
	s9 =	sadd.s32 s15, s11;
	s10 =	sadd.s32 s15, s12  }
0x14: {  	s11 =	sadd.s32 s31, s11;
	s12 =	sadd.s32 s31, s12;
	s15 =	simm.s32 $0x100  }
.LBB2_1:
0x15: {  	[spmem:s13], [sflag:s6] =	dma.local [hbm:s5], $0x2780  }
0x16: {  	_ =	swait.ge [sflag:s14], $0x2780  }
0x17: {  	[sflag:s14] =	ssyncset.done $0x0  }
0x18: {  	[sflag:s14] =	ssyncadd.s32 $0xFFFFD880  }
0x19: {  	s25 =	sadd.s32 $0x0, s12;
	[bflag:$0x0] =	sbarrier.arrive $0xFFFF  }
0x1a: {  	[tilespmem:s4], [sflag:$0x5] =	stream.linear.gather [hbm4b:s25+s4], $0x80, $0x38;
	[tilespmem:$0x1BE00] =	vst v63  }
0x1b: {  	_ =	swait.ge [sflag:s14], $0x80  }
0x1c: {  	[sflag:s14] =	ssyncset.done $0x0  }
0x1d: {  	s29 =	sadd.s32 $0x0, s11;
	[sflag:s14] =	ssyncadd.s32 $0xFFFFFF80  }
0x1e: {  	[tilespmem:s15], [sflag:$0x5] =	stream.linear.gather [hbm4b:s29+s4], $0x80, $0x38;
	[tilespmem:$0x1BE00] =	vst v63  }
0x1f: {  	_ =	swait.ge [sflag:s14], $0x80  }
0x20: {  	[sflag:s14] =	ssyncset.done $0x0  }
0x21: {  	[sflag:s14] =	ssyncadd.s32 $0xFFFFFF80  }
0x22: {  	[tilespmem:s17], [sflag:$0x1] =	stream.indirect.gather [hbm4b:s1+s16], $0x80, s4, s16, $0xb8;
	[tilespmem:$0x1BE00] =	vst v63  }
0x23: {  	s30 =	sadd.s32 $0x0, s10  }
0x24: {  	[tilespmem:s16], [sflag:$0x5] =	stream.linear.gather [hbm4b:s30+s4], $0x80, $0x38;
	[tilespmem:$0x1BE00] =	vst v63  }
0x25: {  	_ =	swait.ge [sflag:s14], $0x80  }
0x26: {  	[sflag:s14] =	ssyncset.done $0x0  }
0x27: {  	s31 =	sadd.s32 $0x0, s9;
	[sflag:s14] =	ssyncadd.s32 $0xFFFFFF80  }
0x28: {  	[tilespmem:s18], [sflag:$0x5] =	stream.linear.gather [hbm4b:s31+s4], $0x80, $0x38;
	[tilespmem:$0x1BE00] =	vst v63  }
0x29: {  	_ =	swait.ge [sflag:s14], $0x80  }
0x2a: {  	[sflag:s14] =	ssyncset.done $0x0  }
0x2b: {  	[sflag:s14] =	ssyncadd.s32 $0xFFFFFF80  }
0x2c: {  	[tilespmem:s19], [sflag:$0x2] =	stream.indirect.gather [hbm4b:s1+s16], $0x80, s16, s16, $0xb8;
	[tilespmem:$0x1BE00] =	vst v63  }
0x2d: {  	_ =	swait.ge [sflag:s20], $0x4000  }
0x2e: {  	[sflag:s20] =	ssyncset.done $0x0  }
0x2f: {  	[sflag:s20] =	ssyncadd.s32 $0xFFFFC000  }
0x30: {  	[spmem:s3] =	stream.indirect.scatter.add.f32 [tilespmem:s17], [sflag:$0x3], $0x80, s15, s16, $0xb8;
	[tilespmem:$0x1BE00] =	vst v63  }
0x31: {  	_ =	swait.ge [sflag:s21], $0x4000  }
0x32: {  	[sflag:s21] =	ssyncset.done $0x0  }
0x33: {  	[sflag:s21] =	ssyncadd.s32 $0xFFFFC000  }
0x34: {  	[spmem:s3] =	stream.indirect.scatter.add.f32 [tilespmem:s19], [sflag:$0x4], $0x80, s18, s16, $0xb8;
	[tilespmem:$0x1BE00] =	vst v63  }
0x35: {  	_ =	swait.ge [sflag:s22], $0x4000  }
0x36: {  	[sflag:s22] =	ssyncset.done $0x0  }
0x37: {  	[sflag:s22] =	ssyncadd.s32 $0xFFFFC000  }
0x38: {  	_ =	swait.ge [sflag:s23], $0x4000  }
0x39: {  	s28 =	simm.s32 $0x40;
	s25 =	simm.s32 $0x20;
	[sflag:s23] =	ssyncset.done $0x0  }
.LBB2_2:
0x3a: {  	s29 =	sadd.s32 s25, s12  }
0x3b: {  	[sflag:s23] =	ssyncadd.s32 $0xFFFFC000;
	s30 =	smov.u32 s28;
	s26 =	sadd.s32 $0x20, s28  }
0x3c: {  	[tilespmem:s4], [sflag:$0x5] =	stream.linear.gather [hbm4b:s29+s4], $0x80, $0x38;
	[tilespmem:$0x1BE00] =	vst v63  }
0x3d: {  	p0 =	sne.s32 s28, $0x4E0;
	_ =	swait.ge [sflag:s14], $0x80  }
0x3e: {  	[sflag:s14] =	ssyncset.done $0x0  }
0x3f: {  	s28 =	sadd.s32 s25, s11;
	[sflag:s14] =	ssyncadd.s32 $0xFFFFFF80  }
0x40: {  	[tilespmem:s15], [sflag:$0x5] =	stream.linear.gather [hbm4b:s28+s4], $0x80, $0x38;
	[tilespmem:$0x1BE00] =	vst v63  }
0x41: {  	_ =	swait.ge [sflag:s14], $0x80  }
0x42: {  	[sflag:s14] =	ssyncset.done $0x0  }
0x43: {  	[sflag:s14] =	ssyncadd.s32 $0xFFFFFF80  }
0x44: {  	[tilespmem:s17], [sflag:$0x1] =	stream.indirect.gather [hbm4b:s1+s16], $0x80, s4, s16, $0xb8;
	[tilespmem:$0x1BE00] =	vst v63  }
0x45: {  	s28 =	sadd.s32 s25, s10  }
0x46: {  	[tilespmem:s16], [sflag:$0x5] =	stream.linear.gather [hbm4b:s28+s4], $0x80, $0x38;
	[tilespmem:$0x1BE00] =	vst v63  }
0x47: {  	_ =	swait.ge [sflag:s14], $0x80  }
0x48: {  	[sflag:s14] =	ssyncset.done $0x0  }
0x49: {  	s28 =	sadd.s32 s25, s9;
	s25 =	smov.u32 s30;
	[sflag:s14] =	ssyncadd.s32 $0xFFFFFF80  }
0x4a: {  	[tilespmem:s18], [sflag:$0x5] =	stream.linear.gather [hbm4b:s28+s4], $0x80, $0x38;
	[tilespmem:$0x1BE00] =	vst v63  }
0x4b: {  	_ =	swait.ge [sflag:s14], $0x80  }
0x4c: {  	[sflag:s14] =	ssyncset.done $0x0  }
0x4d: {  	[sflag:s14] =	ssyncadd.s32 $0xFFFFFF80  }
0x4e: {  	[tilespmem:s19], [sflag:$0x2] =	stream.indirect.gather [hbm4b:s1+s16], $0x80, s16, s16, $0xb8;
	[tilespmem:$0x1BE00] =	vst v63  }
0x4f: {  	_ =	swait.ge [sflag:s20], $0x4000  }
0x50: {  	[sflag:s20] =	ssyncset.done $0x0  }
0x51: {  	[sflag:s20] =	ssyncadd.s32 $0xFFFFC000  }
0x52: {  	[spmem:s3] =	stream.indirect.scatter.add.f32 [tilespmem:s17], [sflag:$0x3], $0x80, s15, s16, $0xb8;
	[tilespmem:$0x1BE00] =	vst v63  }
0x53: {  	_ =	swait.ge [sflag:s21], $0x4000  }
0x54: {  	[sflag:s21] =	ssyncset.done $0x0  }
0x55: {  	[sflag:s21] =	ssyncadd.s32 $0xFFFFC000  }
0x56: {  	[spmem:s3] =	stream.indirect.scatter.add.f32 [tilespmem:s19], [sflag:$0x4], $0x80, s18, s16, $0xb8;
	[tilespmem:$0x1BE00] =	vst v63  }
.Ltmp0:
0x57: {  	_ =	swait.ge [sflag:s22], $0x4000;
	(pc) =	sbr.rel @p0 .LBB2_2-.Ltmp0, $4  }
0x58: {  	[sflag:s22] =	ssyncset.done $0x0  }
0x59: {  	[sflag:s22] =	ssyncadd.s32 $0xFFFFC000  }
0x5a: {  	_ =	swait.ge [sflag:s23], $0x4000  }
0x5b: {  	s28 =	smov.u32 s26;
	[sflag:s23] =	ssyncset.done $0x0  }
0x5c: {  	s26 =	sadd.s32 s25, s12;
	[sflag:s23] =	ssyncadd.s32 $0xFFFFC000  }
0x5d: {  	[tilespmem:s4], [sflag:$0x5] =	stream.linear.gather [hbm4b:s26+s4], $0x80, $0x38;
	[tilespmem:$0x1BE00] =	vst v63  }
0x5e: {  	_ =	swait.ge [sflag:s14], $0x80  }
0x5f: {  	[sflag:s14] =	ssyncset.done $0x0  }
0x60: {  	s29 =	sadd.s32 s25, s11;
	[sflag:s14] =	ssyncadd.s32 $0xFFFFFF80  }
0x61: {  	[tilespmem:s15], [sflag:$0x5] =	stream.linear.gather [hbm4b:s29+s4], $0x80, $0x38;
	[tilespmem:$0x1BE00] =	vst v63  }
0x62: {  	_ =	swait.ge [sflag:s14], $0x80  }
0x63: {  	[sflag:s14] =	ssyncset.done $0x0  }
0x64: {  	[sflag:s14] =	ssyncadd.s32 $0xFFFFFF80  }
0x65: {  	[tilespmem:s17], [sflag:$0x1] =	stream.indirect.gather [hbm4b:s1+s16], $0x80, s4, s16, $0xb8;
	[tilespmem:$0x1BE00] =	vst v63  }
0x66: {  	s30 =	sadd.s32 s25, s10  }
0x67: {  	[tilespmem:s16], [sflag:$0x5] =	stream.linear.gather [hbm4b:s30+s4], $0x80, $0x38;
	[tilespmem:$0x1BE00] =	vst v63  }
0x68: {  	_ =	swait.ge [sflag:s14], $0x80  }
0x69: {  	[sflag:s14] =	ssyncset.done $0x0  }
0x6a: {  	s31 =	sadd.s32 s25, s9;
	[sflag:s14] =	ssyncadd.s32 $0xFFFFFF80  }
0x6b: {  	[tilespmem:s18], [sflag:$0x5] =	stream.linear.gather [hbm4b:s31+s4], $0x80, $0x38;
	[tilespmem:$0x1BE00] =	vst v63  }
0x6c: {  	_ =	swait.ge [sflag:s14], $0x80  }
0x6d: {  	[sflag:s14] =	ssyncset.done $0x0  }
0x6e: {  	[sflag:s14] =	ssyncadd.s32 $0xFFFFFF80  }
0x6f: {  	[tilespmem:s19], [sflag:$0x2] =	stream.indirect.gather [hbm4b:s1+s16], $0x80, s16, s16, $0xb8;
	[tilespmem:$0x1BE00] =	vst v63  }
0x70: {  	_ =	swait.ge [sflag:s20], $0x4000  }
0x71: {  	[sflag:s20] =	ssyncset.done $0x0  }
0x72: {  	[sflag:s20] =	ssyncadd.s32 $0xFFFFC000  }
0x73: {  	[spmem:s3] =	stream.indirect.scatter.add.f32 [tilespmem:s17], [sflag:$0x3], $0x80, s15, s16, $0xb8;
	[tilespmem:$0x1BE00] =	vst v63  }
0x74: {  	_ =	swait.ge [sflag:s21], $0x4000  }
0x75: {  	[sflag:s21] =	ssyncset.done $0x0  }
0x76: {  	[sflag:s21] =	ssyncadd.s32 $0xFFFFC000  }
0x77: {  	[spmem:s3] =	stream.indirect.scatter.add.f32 [tilespmem:s19], [sflag:$0x4], $0x80, s18, s16, $0xb8;
	[tilespmem:$0x1BE00] =	vst v63  }
0x78: {  	_ =	swait.ge [sflag:s22], $0x4000  }
0x79: {  	[sflag:s22] =	ssyncset.done $0x0  }
0x7a: {  	[sflag:s22] =	ssyncadd.s32 $0xFFFFC000  }
0x7b: {  	_ =	swait.ge [sflag:s23], $0x4000  }
0x7c: {  	s24 =	sadd.s32 $0x1, s24;
	[sflag:s23] =	ssyncset.done $0x0  }
0x7d: {  	p0 =	sne.s32 s24, s8;
	[sflag:s23] =	ssyncadd.s32 $0xFFFFC000  }
.Ltmp1:
0x7e: {  	[bflag:$0x0] =	sbarrier.arrive $0xFFFF;
	(pc) =	sbr.rel @p0 .LBB2_1-.Ltmp1, $4  }
0x7f: {  	[hbm:s7], [sflag:s6] =	dma.local [spmem:s13], $0x2780  }
0x80: {  	_ =	swait.ge [sflag:s14], $0x2780  }
0x81: {  	[sflag:s14] =	ssyncset.done $0x0  }
0x82: {  	[sflag:s14] =	ssyncadd.s32 $0xFFFFD880  }
0x83: {  	_ =	sfence.sel $0x180000  }
0x84: {  	[bflag:$0x0] =	sbarrier.arrive $0xFFFF  }
0x85: {  	p0 =	sne.s32 s2, $0x0;
	_ =	strace $0x9000004A  }
0x86: {  	s0 =	sadd.s32 @!p0 $0x100000, s0;
	[bflag:$0x2] =	sbarrier.arrive $0xFFFF  }
0x87: {  	[sflag:s0] =	ssyncadd.tile.s32 @!p0 $0x1;
	_ =	shalt  }
.Lfunc_end2:
_tile_overlayer_lowered:
.L_overlay_start_2:
0x88: {  	(tag) =	ssettag $0x2  }
0x89: {  	s0 =	rddreg [dreg:$0x0];
	s2 =	stileid.u32  }
0x8a: {  	s1 =	rddreg [dreg:$0x1];
	p0 =	sne.s32 s2, $0x0  }
0x8b: {  	s3 =	rddreg [dreg:$0x2];
	[bflag:$0x3] =	sbarrier.arrive $0xFFFF;
	s2 =	simm.s32 @!p0 $0x1C05  }
0x8c: {  	[timem:s3], [sflag:s2] =	dma.local @!p0 [hbm:s0], s1  }
0x8d: {  	s0 =	simm.s32 @!p0 $0x5  }
0x8e: {  	_ =	swait.ge @!p0 [sflag:s0], s1  }
0x8f: {  	s1 =	ssub.s32 @!p0 $0x0, s1;
	[sflag:s0] =	ssyncset.done @!p0 $0x0  }
0x90: {  	[sflag:s0] =	ssyncadd.s32 @!p0 s1  }
0x91: {  	[bflag:$0x3] =	sbarrier.arrive $0xFFFF  }
0x92: {  	_ =	shalt  }

// kernel: kernel.16.cloned.1.call-start
scs
__scs_entry_jumppad:
0x0: {  	(pc) =	sbr.rel $0x88, $3  }
0x1: {  	(tag) =	ssettag $0x0;
	lr =	simm.s32 $0x1  }
0x2: {  	[smem:$0x3F99] =	sst lr;
	_ =	strace $0xD0000000  }
0x3: {  	_ = 	snop  }
0x4: {  	_ = 	snop  }
0x5: {  	_ = 	snop  }
0x6: {  	_ = 	snop  }
0x7: {  	_ = 	snop  }
__scs_overlays_trampoline_lowered:
0x8: {  	[smem:$0x3FA8] =	sst s0  }
0x9: {  	[smem:$0x3FA9] =	sst s1  }
0xa: {  	[smem:$0x3FAA] =	sst s2  }
0xb: {  	[smem:$0x3FAB] =	sst s3  }
0xc: {  	[smem:$0x3FAC] =	sst s4  }
0xd: {  	[smem:$0x3FAD] =	sst s5  }
0xe: {  	[smem:$0x3FAE] =	sst s6  }
0xf: {  	[smem:$0x3FAF] =	sst s7  }
0x10: {  	[smem:$0x3FB0] =	sst s8  }
0x11: {  	[smem:$0x3FB1] =	sst s9;
	s0 =	simm.s32 @!p0 $0x0  }
0x12: {  	s1 =	sld [smem:$0x3F97];
	s0 =	simm.s32 @p0 $0x1  }
0x13: {  	[smem:$0x3FB2] =	sst s0;
	s0 =	simm.s32 @!p1 $0x0  }
0x14: {  	s2 =	sld [smem:$0x3F96];
	s0 =	simm.s32 @p1 $0x1  }
0x15: {  	[smem:$0x3FB3] =	sst s0;
	s0 =	simm.s32 @!p2 $0x0  }
0x16: {  	s3 =	sld [smem:$0x3FDB];
	s0 =	simm.s32 @p2 $0x1  }
0x17: {  	s4 =	simm.s32 $0x1BF5;
	[smem:$0x3FB5] =	sst s0  }
0x18: {  	s0 =	sld [smem:$0x3F98];
	_ =	swait.ge [sflag:s4], $0x0  }
0x19: {  	s7 =	sld [smem:$0x3F99]  }
0x1a: {  	s8 =	sadd.s32 $0xFFFFE003, lr  }
0x1b: {  	s9 =	sadd.s32 $0xFFFFFEF7, lr;
	s5 =	simm.s32 $0xFFFFFFFF;
	p2 =	slt.u32 s8, $0xFFFFF086  }
0x1c: {  	p1 =	slt.u32 s9, $0xF7A;
	s5 =	simm.s32 @!p2 $0x0  }
0x1d: {  	s5 =	simm.s32 @p1 $0x1;
	p0 =	seq.s32 s7, s2  }
0x1e: {  	s7 =	smul.u32 @!p0 $0xF7A, s2;
	p2 =	seq.s32 @!p0 s5, $0x0  }
0x1f: {  	s9 =	smul.u32 $0xF7A, s1;
	s8 =	simm.s32 @!p0 $0x1BF5;
	p2 =	por !p2, p0  }
0x20: {  	[sflag:s8] =	ssyncset.s32 @!p0 $0xFFFFF086;
	s6 =	sadd.s32 @!p0 s3, s7;
	s7 =	simm.s32 @!p0 $0x108  }
0x21: {  	s3 =	sadd.s32 s3, s9;
	s6 =	sadd.s32 @!p0 $0x88, s6;
	s7 =	simm.s32 @p2 $0x1082  }
0x22: {  	[simem:s7], [sflag:s8] =	dma.local @!p0 [hbm:s6], $0xF7A  }
0x23: {  	s9 =	sor.u32 $0xD0000000, s2;
	s6 =	simm.s32 $0x108;
	_ =	swait.ge @!p0 [sflag:s8], $0x0  }
0x24: {  	s3 =	sadd.s32 $0x88, s3;
	s6 =	simm.s32 @!p1 $0x1082;
	[sflag:s4] =	ssyncset.s32 $0xFFFFF086  }
0x25: {  	[simem:s6], [sflag:s4] =	dma.local [hbm:s3], $0xF7A  }
0x26: {  	[smem:$0x3F99] =	sst s1;
	(tag) =	ssettag s2;
	_ =	strace s9  }
0x27: {  	s1 =	sld [smem:$0x3FA9]  }
0x28: {  	s2 =	sld [smem:$0x3FAA]  }
0x29: {  	s4 =	sld [smem:$0x3FAC]  }
0x2a: {  	p0 =	seq.s32 s5, $0x0;
	s5 =	sld [smem:$0x3FAD]  }
0x2b: {  	s6 =	sld [smem:$0x3FAE]  }
0x2c: {  	s7 =	sld [smem:$0x3FAF]  }
0x2d: {  	s3 =	simm.s32 $0x108;
	s8 =	sld [smem:$0x3FB0]  }
0x2e: {  	s3 =	simm.s32 @!p0 $0x1082;
	s9 =	sld [smem:$0x3FB1]  }
0x2f: {  	lr =	sadd.s32 s0, s3;
	s0 =	sld [smem:$0x3FA8]  }
0x30: {  	s3 =	sld [smem:$0x3FAB]  }
0x31: {  	[smem:$0x3FB4] =	sst s10  }
0x32: {  	s10 =	sld [smem:$0x3FB2];
	_ =	sdelay $0x3  }
0x33: {  	p0 =	seq.s32 s10, $0x1;
	s10 =	sld [smem:$0x3FB4];
	_ =	sdelay $0x3  }
0x34: {  	[smem:$0x3FB4] =	sst s10  }
0x35: {  	s10 =	sld [smem:$0x3FB3];
	_ =	sdelay $0x3  }
0x36: {  	p1 =	seq.s32 s10, $0x1;
	s10 =	sld [smem:$0x3FB4];
	_ =	sdelay $0x3  }
0x37: {  	[smem:$0x3FB4] =	sst s10  }
0x38: {  	s10 =	sld [smem:$0x3FB5]  }
0x39: {  	_ = 	snop;
	(pc) =	sbr.ind lr, $3  }
0x3a: {  	_ = 	snop  }
0x3b: {  	_ = 	snop  }
0x3c: {  	p2 =	seq.s32 s10, $0x1;
	s10 =	sld [smem:$0x3FB4]  }
0x3d: {  	_ =	shalt  }
0x3e: {  	_ =	shalt  }
0x3f: {  	_ =	shalt  }
0x40: {  	_ =	shalt  }
0x41: {  	_ =	shalt  }
0x42: {  	_ =	shalt  }
0x43: {  	_ =	shalt  }
0x44: {  	_ =	shalt  }
0x45: {  	_ =	shalt  }
0x46: {  	_ =	shalt  }
0x47: {  	_ =	shalt  }
0x48: {  	_ =	shalt  }
0x49: {  	_ =	shalt  }
0x4a: {  	_ =	shalt  }
0x4b: {  	_ =	shalt  }
0x4c: {  	_ =	shalt  }
0x4d: {  	_ =	shalt  }
0x4e: {  	_ =	shalt  }
0x4f: {  	_ =	shalt  }
0x50: {  	_ =	shalt  }
0x51: {  	_ =	shalt  }
0x52: {  	_ =	shalt  }
0x53: {  	_ =	shalt  }
0x54: {  	_ =	shalt  }
0x55: {  	_ =	shalt  }
0x56: {  	_ =	shalt  }
0x57: {  	_ =	shalt  }
0x58: {  	_ =	shalt  }
0x59: {  	_ =	shalt  }
0x5a: {  	_ =	shalt  }
0x5b: {  	_ =	shalt  }
0x5c: {  	_ =	shalt  }
0x5d: {  	_ =	shalt  }
0x5e: {  	_ =	shalt  }
0x5f: {  	_ =	shalt  }
0x60: {  	_ =	shalt  }
0x61: {  	_ =	shalt  }
0x62: {  	_ =	shalt  }
0x63: {  	_ =	shalt  }
0x64: {  	_ =	shalt  }
0x65: {  	_ =	shalt  }
0x66: {  	_ =	shalt  }
0x67: {  	_ =	shalt  }
0x68: {  	_ =	shalt  }
0x69: {  	_ =	shalt  }
0x6a: {  	_ =	shalt  }
0x6b: {  	_ =	shalt  }
0x6c: {  	_ =	shalt  }
0x6d: {  	_ =	shalt  }
0x6e: {  	_ =	shalt  }
0x6f: {  	_ =	shalt  }
0x70: {  	_ =	shalt  }
0x71: {  	_ =	shalt  }
0x72: {  	_ =	shalt  }
0x73: {  	_ =	shalt  }
0x74: {  	_ =	shalt  }
0x75: {  	_ =	shalt  }
0x76: {  	_ =	shalt  }
0x77: {  	_ =	shalt  }
0x78: {  	_ =	shalt  }
0x79: {  	_ =	shalt  }
0x7a: {  	_ =	shalt  }
0x7b: {  	_ =	shalt  }
0x7c: {  	_ =	shalt  }
0x7d: {  	_ =	shalt  }
0x7e: {  	_ =	shalt  }
0x7f: {  	_ =	shalt  }
0x80: {  	_ =	shalt  }
0x81: {  	_ =	shalt  }
0x82: {  	_ =	shalt  }
0x83: {  	_ =	shalt  }
0x84: {  	_ =	shalt  }
0x85: {  	_ =	shalt  }
0x86: {  	_ =	shalt  }
0x87: {  	_ =	shalt  }
.Lfunc_end0:
.L_simem_size_0:
called_computation.2_lowered:
.L_overlay_start_0:
0x88: {  	s2 =	sld [smem:$0x3FD9]  }
0x89: {  	s3 =	sld [smem:$0x3FFE];
	_ =	sdelay $0x1  }
0x8a: {  	s1 =	srdreg.scid  }
0x8b: {  	s0 =	sand.u32 $0x1, s1  }
0x8c: {  	s17 =	sshll.u32 s0, $0xA;
	s2 =	sadd.s32 s3, s2  }
0x8d: {  	s2 =	sadd.s32 s2, s17  }
0x8e: {  	[smem:$0x3FC0] =	sst s2  }
0x8f: {  	_ = 	snop  }
0x90: {  	s2 =	sld [smem:$0x3FD0];
	(tm) =	ssettm $0x1  }
0x91: {  	s18 =	sld [smem:$0x3FFB];
	_ =	sdelay $0x3  }
0x92: {  	_ =	strace s18  }
0x93: {  	s3 =	sld [smem:$0x3FFC];
	_ =	sdelay $0x3  }
0x94: {  	_ =	strace s3  }
0x95: {  	s3 =	sld [smem:$0x3FFD];
	_ =	sdelay $0x3  }
0x96: {  	_ =	strace s3  }
0x97: {  	_ =	strace $0x8FFFFFFF  }
0x98: {  	s19 =	sld [smem:$0x3FDB];
	_ =	sdelay $0x1  }
0x99: {  	s4 =	simm.s32 $_scs_section_size  }
0x9a: {  	s5 =	simm.s32 $_size__tile_overlayer_lowered;
	s6 =	simm.s32 $_tile_overlayer_lowered  }
0x9b: {  	s22 =	simm.s32 $0x1BFF;
	s21 =	sshll.u32 s6, $0x1;
	s3 =	sadd.s32 s4, s19  }
0x9c: {  	s7 =	simm.s32 $0x0;
	s20 =	sshll.u32 s5, $0x1;
	s5 =	sadd.s32 s21, s3  }
0x9d: {  	[timem:s7], [sflag:s22] =	dma.local [hbm:s5], s20  }
0x9e: {  	_ =	swait.ge [sflag:s22], s20  }
0x9f: {  	s4 =	ssub.s32 $0x0, s20;
	[sflag:s22] =	ssyncset.done $0x0  }
0xa0: {  	[sflag:s22] =	ssyncadd.s32 s4;
	_ =	sdelay $0x1  }
0xa1: {  	s23 =	simm.s32 $0x1B8B  }
0xa2: {  	_ =	swait.ge [sflag:s23], $0x1  }
0xa3: {  	[sflag:s23] =	ssyncset.done $0x0  }
0xa4: {  	s25 =	simm.s32 $0x1B8E;
	s24 =	sld [smem:$0x3FFE];
	[sflag:s23] =	ssyncadd.s32 $0xFFFFFFFF  }
0xa5: {  	s26 =	simm.s32 $execute0_lowered;
	[smem:$0x3FD2] =	sst s25  }
0xa6: {  	s5 =	sshll.u32 s26, $0x1;
	_ =	strace $0x8000004C;
	[dreg:$0x1] =	wrdreg $0xFFFFFFFF  }
0xa7: {  	s28 =	simm.s32 $_size_execute0_lowered;
	s3 =	sadd.s32 s3, s5;
	[dreg:$0x0] =	wrdreg $0x0  }
0xa8: {  	s5 =	sshll.u32 s28, $0x1;
	[dreg:$0x2] =	wrdreg s3  }
0xa9: {  	[dreg:$0x3] =	wrdreg s5  }
0xaa: {  	[dreg:$0x4] =	wrdreg $0xC0  }
0xab: {  	_ =	task [dreg:s7], $0x5FFFF  }
0xac: {  	[dreg:$0x1] =	wrdreg $0xFFFFFFFF  }
0xad: {  	[dreg:$0x0] =	wrdreg $0x60  }
0xae: {  	[dreg:$0x2] =	wrdreg s2  }
0xaf: {  	[dreg:$0x3] =	wrdreg s24  }
0xb0: {  	[dreg:$0x4] =	wrdreg $0x82000  }
0xb1: {  	[dreg:$0x5] =	wrdreg $0x9  }
0xb2: {  	_ =	task.clear_ibuf [dreg:s7], $0x6FFFF;
	_ =	strace $0x9000004C  }
0xb3: {  	s29 =	simm.s32 $0x9;
	_ =	strace $0x8000004E  }
0xb4: {  	_ =	swait.ge [sflag:s29], $0x1  }
0xb5: {  	[sflag:s29] =	ssyncadd.s32 $0xFFFFFFFF  }
0xb6: {  	_ =	strace $0x9000004E  }
0xb7: {  	_ =	sfence  }
0xb8: {  	s30 =	sld [smem:$0x0];
	_ =	sdelay $0x2  }
0xb9: {  	s31 =	sshll.u32 s1, $0xD;
	s1 =	sshrl.u32 s1, $0x2  }
0xba: {  	s3 =	sand.u32 $0x4000, s31;
	s1 =	sadd.s32 s1, s30  }
0xbb: {  	s0 =	sor.u32 s3, s0;
	s1 =	sshll.u32 s1, $0x11  }
0xbc: {  	s0 =	sor.u32 s1, s0  }
0xbd: {  	s0 =	sadd.s32 $0x8F2B, s0  }
0xbe: {  	[sflag:s0] =	ssyncadd.remote.s32 $0x1  }
0xbf: {  	_ =	sfence.sel $0xFFFF  }
0xc0: {  	[dreg:$0x0] =	wrdreg $0xFFFFFFFF;
	(pc) =	sbr.abs _section_cstart, $3  }
0xc1: {  	[dreg:$0x1] =	wrdreg $0xFFFFFFFF  }
0xc2: {  	_ =	task.clear_ibuf [dreg:s7], $0x2FFFF;
	_ =	strace $0x9FFFFFFF  }
0xc3: {  	(tm) =	ssettm $0x7FFFFFFF  }
tec
execute0_lowered:
.L_overlay_start_1:
0x0: {  	(tag) =	ssettag $0x1  }
0x1: {  	s1 =	rddreg [dreg:$0x0]  }
0x2: {  	s5 =	rddreg [dreg:$0x1]  }
0x3: {  	s3 =	rddreg [dreg:$0x2]  }
0x4: {  	s0 =	rddreg [dreg:$0x3]  }
0x5: {  	s4 =	simm.s32 $0x0;
	s2 =	stileid.u32;
	s6 =	srdreg.scid  }
0x6: {  	s16 =	simm.s32 $0x80;
	s17 =	simm.s32 $0x200;
	s18 =	simm.s32 $0x180  }
0x7: {  	s19 =	simm.s32 $0x4200;
	s20 =	simm.s32 $0x1;
	s21 =	simm.s32 $0x2  }
0x8: {  	s22 =	simm.s32 $0x3;
	s23 =	simm.s32 $0x4;
	s7 =	smul.u32 $0x13C00, s2  }
0x9: {  	s24 =	simm.s32 $0x0;
	[smem:$0x7FF] =	sst s4;
	s10 =	smul.u32 $0x4F000, s2  }
0xa: {  	s6 =	sand.u32 $0x1, s6;
	s12 =	sadd.s32 $0xD600, s5;
	s26 =	smul.u32 $0x5000, s2  }
0xb: {  	s11 =	sadd.s32 $0x3600, s5;
	s30 =	sshll.u32 s2, $0x6;
	s8 =	smul.u32 $0x13C000, s6  }
0xc: {  	_ =	strace $0x8000004D;
	s13 =	ssub.s32 $0x2, s6;
	s6 =	smul.u32 $0x2800, s6  }
0xd: {  	s9 =	sshrl.u32 s7, $0x3;
	s28 =	sshrl.u32 s13, $0x1;
	s10 =	sshrl.u32 s10, $0x2  }
0xe: {  	s9 =	sadd.s32 s9, s5;
	s7 =	sadd.s32 s7, s8;
	s13 =	ssub.s32 s13, s28  }
0xf: {  	s14 =	sadd.s32 s10, s3;
	s29 =	sadd.s32 s6, s26;
	s6 =	sor.u32 $0x1C05, s30  }
0x10: {  	s7 =	sshrl.u32 s7, $0x3;
	s8 =	sor.u32 $0x80, s29;
	s31 =	sshrl.u32 s29, $0x3  }
0x11: {  	s7 =	sadd.s32 s7, s5;
	s5 =	sadd.s32 $0x17600, s9;
	s15 =	sshrl.u32 s8, $0x3  }
0x12: {  	s8 =	smax.u32 s13, $0x1;
	s13 =	sshrl.u32 s14, $0x3;
	s14 =	simm.s32 $0x5  }
0x13: {  	s7 =	sadd.s32 $0x8DE00, s7;
	s9 =	sadd.s32 s15, s11;
	s10 =	sadd.s32 s15, s12  }
0x14: {  	s11 =	sadd.s32 s31, s11;
	s12 =	sadd.s32 s31, s12;
	s15 =	simm.s32 $0x100  }
.LBB2_1:
0x15: {  	[spmem:s13], [sflag:s6] =	dma.local [hbm:s5], $0x2780  }
0x16: {  	_ =	swait.ge [sflag:s14], $0x2780  }
0x17: {  	[sflag:s14] =	ssyncset.done $0x0  }
0x18: {  	[sflag:s14] =	ssyncadd.s32 $0xFFFFD880  }
0x19: {  	s25 =	sadd.s32 $0x0, s12;
	[bflag:$0x0] =	sbarrier.arrive $0xFFFF  }
0x1a: {  	[tilespmem:s4], [sflag:$0x5] =	stream.linear.gather [hbm4b:s25+s4], $0x80, $0x38;
	[tilespmem:$0x1BE00] =	vst v63  }
0x1b: {  	_ =	swait.ge [sflag:s14], $0x80  }
0x1c: {  	[sflag:s14] =	ssyncset.done $0x0  }
0x1d: {  	s29 =	sadd.s32 $0x0, s11;
	[sflag:s14] =	ssyncadd.s32 $0xFFFFFF80  }
0x1e: {  	[tilespmem:s15], [sflag:$0x5] =	stream.linear.gather [hbm4b:s29+s4], $0x80, $0x38;
	[tilespmem:$0x1BE00] =	vst v63  }
0x1f: {  	_ =	swait.ge [sflag:s14], $0x80  }
0x20: {  	[sflag:s14] =	ssyncset.done $0x0  }
0x21: {  	[sflag:s14] =	ssyncadd.s32 $0xFFFFFF80  }
0x22: {  	[tilespmem:s17], [sflag:$0x1] =	stream.indirect.gather [hbm4b:s1+s16], $0x80, s4, s16, $0xb8;
	[tilespmem:$0x1BE00] =	vst v63  }
0x23: {  	s30 =	sadd.s32 $0x0, s10  }
0x24: {  	[tilespmem:s16], [sflag:$0x5] =	stream.linear.gather [hbm4b:s30+s4], $0x80, $0x38;
	[tilespmem:$0x1BE00] =	vst v63  }
0x25: {  	_ =	swait.ge [sflag:s14], $0x80  }
0x26: {  	[sflag:s14] =	ssyncset.done $0x0  }
0x27: {  	s31 =	sadd.s32 $0x0, s9;
	[sflag:s14] =	ssyncadd.s32 $0xFFFFFF80  }
0x28: {  	[tilespmem:s18], [sflag:$0x5] =	stream.linear.gather [hbm4b:s31+s4], $0x80, $0x38;
	[tilespmem:$0x1BE00] =	vst v63  }
0x29: {  	_ =	swait.ge [sflag:s14], $0x80  }
0x2a: {  	[sflag:s14] =	ssyncset.done $0x0  }
0x2b: {  	[sflag:s14] =	ssyncadd.s32 $0xFFFFFF80  }
0x2c: {  	[tilespmem:s19], [sflag:$0x2] =	stream.indirect.gather [hbm4b:s1+s16], $0x80, s16, s16, $0xb8;
	[tilespmem:$0x1BE00] =	vst v63  }
0x2d: {  	_ =	swait.ge [sflag:s20], $0x4000  }
0x2e: {  	[sflag:s20] =	ssyncset.done $0x0  }
0x2f: {  	[sflag:s20] =	ssyncadd.s32 $0xFFFFC000  }
0x30: {  	[spmem:s3] =	stream.indirect.scatter.add.f32 [tilespmem:s17], [sflag:$0x3], $0x80, s15, s16, $0xb8;
	[tilespmem:$0x1BE00] =	vst v63  }
0x31: {  	_ =	swait.ge [sflag:s21], $0x4000  }
0x32: {  	[sflag:s21] =	ssyncset.done $0x0  }
0x33: {  	[sflag:s21] =	ssyncadd.s32 $0xFFFFC000  }
0x34: {  	[spmem:s3] =	stream.indirect.scatter.add.f32 [tilespmem:s19], [sflag:$0x4], $0x80, s18, s16, $0xb8;
	[tilespmem:$0x1BE00] =	vst v63  }
0x35: {  	_ =	swait.ge [sflag:s22], $0x4000  }
0x36: {  	[sflag:s22] =	ssyncset.done $0x0  }
0x37: {  	[sflag:s22] =	ssyncadd.s32 $0xFFFFC000  }
0x38: {  	_ =	swait.ge [sflag:s23], $0x4000  }
0x39: {  	s28 =	simm.s32 $0x40;
	s25 =	simm.s32 $0x20;
	[sflag:s23] =	ssyncset.done $0x0  }
.LBB2_2:
0x3a: {  	s29 =	sadd.s32 s25, s12  }
0x3b: {  	[sflag:s23] =	ssyncadd.s32 $0xFFFFC000;
	s30 =	smov.u32 s28;
	s26 =	sadd.s32 $0x20, s28  }
0x3c: {  	[tilespmem:s4], [sflag:$0x5] =	stream.linear.gather [hbm4b:s29+s4], $0x80, $0x38;
	[tilespmem:$0x1BE00] =	vst v63  }
0x3d: {  	p0 =	sne.s32 s28, $0x4E0;
	_ =	swait.ge [sflag:s14], $0x80  }
0x3e: {  	[sflag:s14] =	ssyncset.done $0x0  }
0x3f: {  	s28 =	sadd.s32 s25, s11;
	[sflag:s14] =	ssyncadd.s32 $0xFFFFFF80  }
0x40: {  	[tilespmem:s15], [sflag:$0x5] =	stream.linear.gather [hbm4b:s28+s4], $0x80, $0x38;
	[tilespmem:$0x1BE00] =	vst v63  }
0x41: {  	_ =	swait.ge [sflag:s14], $0x80  }
0x42: {  	[sflag:s14] =	ssyncset.done $0x0  }
0x43: {  	[sflag:s14] =	ssyncadd.s32 $0xFFFFFF80  }
0x44: {  	[tilespmem:s17], [sflag:$0x1] =	stream.indirect.gather [hbm4b:s1+s16], $0x80, s4, s16, $0xb8;
	[tilespmem:$0x1BE00] =	vst v63  }
0x45: {  	s28 =	sadd.s32 s25, s10  }
0x46: {  	[tilespmem:s16], [sflag:$0x5] =	stream.linear.gather [hbm4b:s28+s4], $0x80, $0x38;
	[tilespmem:$0x1BE00] =	vst v63  }
0x47: {  	_ =	swait.ge [sflag:s14], $0x80  }
0x48: {  	[sflag:s14] =	ssyncset.done $0x0  }
0x49: {  	s28 =	sadd.s32 s25, s9;
	s25 =	smov.u32 s30;
	[sflag:s14] =	ssyncadd.s32 $0xFFFFFF80  }
0x4a: {  	[tilespmem:s18], [sflag:$0x5] =	stream.linear.gather [hbm4b:s28+s4], $0x80, $0x38;
	[tilespmem:$0x1BE00] =	vst v63  }
0x4b: {  	_ =	swait.ge [sflag:s14], $0x80  }
0x4c: {  	[sflag:s14] =	ssyncset.done $0x0  }
0x4d: {  	[sflag:s14] =	ssyncadd.s32 $0xFFFFFF80  }
0x4e: {  	[tilespmem:s19], [sflag:$0x2] =	stream.indirect.gather [hbm4b:s1+s16], $0x80, s16, s16, $0xb8;
	[tilespmem:$0x1BE00] =	vst v63  }
0x4f: {  	_ =	swait.ge [sflag:s20], $0x4000  }
0x50: {  	[sflag:s20] =	ssyncset.done $0x0  }
0x51: {  	[sflag:s20] =	ssyncadd.s32 $0xFFFFC000  }
0x52: {  	[spmem:s3] =	stream.indirect.scatter.add.f32 [tilespmem:s17], [sflag:$0x3], $0x80, s15, s16, $0xb8;
	[tilespmem:$0x1BE00] =	vst v63  }
0x53: {  	_ =	swait.ge [sflag:s21], $0x4000  }
0x54: {  	[sflag:s21] =	ssyncset.done $0x0  }
0x55: {  	[sflag:s21] =	ssyncadd.s32 $0xFFFFC000  }
0x56: {  	[spmem:s3] =	stream.indirect.scatter.add.f32 [tilespmem:s19], [sflag:$0x4], $0x80, s18, s16, $0xb8;
	[tilespmem:$0x1BE00] =	vst v63  }
.Ltmp0:
0x57: {  	_ =	swait.ge [sflag:s22], $0x4000;
	(pc) =	sbr.rel @p0 .LBB2_2-.Ltmp0, $4  }
0x58: {  	[sflag:s22] =	ssyncset.done $0x0  }
0x59: {  	[sflag:s22] =	ssyncadd.s32 $0xFFFFC000  }
0x5a: {  	_ =	swait.ge [sflag:s23], $0x4000  }
0x5b: {  	s28 =	smov.u32 s26;
	[sflag:s23] =	ssyncset.done $0x0  }
0x5c: {  	s26 =	sadd.s32 s25, s12;
	[sflag:s23] =	ssyncadd.s32 $0xFFFFC000  }
0x5d: {  	[tilespmem:s4], [sflag:$0x5] =	stream.linear.gather [hbm4b:s26+s4], $0x80, $0x38;
	[tilespmem:$0x1BE00] =	vst v63  }
0x5e: {  	_ =	swait.ge [sflag:s14], $0x80  }
0x5f: {  	[sflag:s14] =	ssyncset.done $0x0  }
0x60: {  	s29 =	sadd.s32 s25, s11;
	[sflag:s14] =	ssyncadd.s32 $0xFFFFFF80  }
0x61: {  	[tilespmem:s15], [sflag:$0x5] =	stream.linear.gather [hbm4b:s29+s4], $0x80, $0x38;
	[tilespmem:$0x1BE00] =	vst v63  }
0x62: {  	_ =	swait.ge [sflag:s14], $0x80  }
0x63: {  	[sflag:s14] =	ssyncset.done $0x0  }
0x64: {  	[sflag:s14] =	ssyncadd.s32 $0xFFFFFF80  }
0x65: {  	[tilespmem:s17], [sflag:$0x1] =	stream.indirect.gather [hbm4b:s1+s16], $0x80, s4, s16, $0xb8;
	[tilespmem:$0x1BE00] =	vst v63  }
0x66: {  	s30 =	sadd.s32 s25, s10  }
0x67: {  	[tilespmem:s16], [sflag:$0x5] =	stream.linear.gather [hbm4b:s30+s4], $0x80, $0x38;
	[tilespmem:$0x1BE00] =	vst v63  }
0x68: {  	_ =	swait.ge [sflag:s14], $0x80  }
0x69: {  	[sflag:s14] =	ssyncset.done $0x0  }
0x6a: {  	s31 =	sadd.s32 s25, s9;
	[sflag:s14] =	ssyncadd.s32 $0xFFFFFF80  }
0x6b: {  	[tilespmem:s18], [sflag:$0x5] =	stream.linear.gather [hbm4b:s31+s4], $0x80, $0x38;
	[tilespmem:$0x1BE00] =	vst v63  }
0x6c: {  	_ =	swait.ge [sflag:s14], $0x80  }
0x6d: {  	[sflag:s14] =	ssyncset.done $0x0  }
0x6e: {  	[sflag:s14] =	ssyncadd.s32 $0xFFFFFF80  }
0x6f: {  	[tilespmem:s19], [sflag:$0x2] =	stream.indirect.gather [hbm4b:s1+s16], $0x80, s16, s16, $0xb8;
	[tilespmem:$0x1BE00] =	vst v63  }
0x70: {  	_ =	swait.ge [sflag:s20], $0x4000  }
0x71: {  	[sflag:s20] =	ssyncset.done $0x0  }
0x72: {  	[sflag:s20] =	ssyncadd.s32 $0xFFFFC000  }
0x73: {  	[spmem:s3] =	stream.indirect.scatter.add.f32 [tilespmem:s17], [sflag:$0x3], $0x80, s15, s16, $0xb8;
	[tilespmem:$0x1BE00] =	vst v63  }
0x74: {  	_ =	swait.ge [sflag:s21], $0x4000  }
0x75: {  	[sflag:s21] =	ssyncset.done $0x0  }
0x76: {  	[sflag:s21] =	ssyncadd.s32 $0xFFFFC000  }
0x77: {  	[spmem:s3] =	stream.indirect.scatter.add.f32 [tilespmem:s19], [sflag:$0x4], $0x80, s18, s16, $0xb8;
	[tilespmem:$0x1BE00] =	vst v63  }
0x78: {  	_ =	swait.ge [sflag:s22], $0x4000  }
0x79: {  	[sflag:s22] =	ssyncset.done $0x0  }
0x7a: {  	[sflag:s22] =	ssyncadd.s32 $0xFFFFC000  }
0x7b: {  	_ =	swait.ge [sflag:s23], $0x4000  }
0x7c: {  	s24 =	sadd.s32 $0x1, s24;
	[sflag:s23] =	ssyncset.done $0x0  }
0x7d: {  	p0 =	sne.s32 s24, s8;
	[sflag:s23] =	ssyncadd.s32 $0xFFFFC000  }
.Ltmp1:
0x7e: {  	[bflag:$0x0] =	sbarrier.arrive $0xFFFF;
	(pc) =	sbr.rel @p0 .LBB2_1-.Ltmp1, $4  }
0x7f: {  	[hbm:s7], [sflag:s6] =	dma.local [spmem:s13], $0x2780  }
0x80: {  	_ =	swait.ge [sflag:s14], $0x2780  }
0x81: {  	[sflag:s14] =	ssyncset.done $0x0  }
0x82: {  	[sflag:s14] =	ssyncadd.s32 $0xFFFFD880  }
0x83: {  	_ =	sfence.sel $0x180000  }
0x84: {  	[bflag:$0x0] =	sbarrier.arrive $0xFFFF  }
0x85: {  	p0 =	sne.s32 s2, $0x0;
	_ =	strace $0x9000004D  }
0x86: {  	s0 =	sadd.s32 @!p0 $0x100000, s0;
	[bflag:$0x2] =	sbarrier.arrive $0xFFFF  }
0x87: {  	[sflag:s0] =	ssyncadd.tile.s32 @!p0 $0x1;
	_ =	shalt  }
.Lfunc_end2:
_tile_overlayer_lowered:
.L_overlay_start_2:
0x88: {  	(tag) =	ssettag $0x2  }
0x89: {  	s0 =	rddreg [dreg:$0x0];
	s2 =	stileid.u32  }
0x8a: {  	s1 =	rddreg [dreg:$0x1];
	p0 =	sne.s32 s2, $0x0  }
0x8b: {  	s3 =	rddreg [dreg:$0x2];
	[bflag:$0x3] =	sbarrier.arrive $0xFFFF;
	s2 =	simm.s32 @!p0 $0x1C05  }
0x8c: {  	[timem:s3], [sflag:s2] =	dma.local @!p0 [hbm:s0], s1  }
0x8d: {  	s0 =	simm.s32 @!p0 $0x5  }
0x8e: {  	_ =	swait.ge @!p0 [sflag:s0], s1  }
0x8f: {  	s1 =	ssub.s32 @!p0 $0x0, s1;
	[sflag:s0] =	ssyncset.done @!p0 $0x0  }
0x90: {  	[sflag:s0] =	ssyncadd.s32 @!p0 s1  }
0x91: {  	[bflag:$0x3] =	sbarrier.arrive $0xFFFF  }
0x92: {  	_ =	shalt  }

// kernel: kernel.19.cloned.1.call-start
scs
__scs_entry_jumppad:
0x0: {  	(pc) =	sbr.rel $0x88, $3  }
0x1: {  	(tag) =	ssettag $0x0;
	lr =	simm.s32 $0x1  }
0x2: {  	[smem:$0x3F99] =	sst lr;
	_ =	strace $0xD0000000  }
0x3: {  	_ = 	snop  }
0x4: {  	_ = 	snop  }
0x5: {  	_ = 	snop  }
0x6: {  	_ = 	snop  }
0x7: {  	_ = 	snop  }
__scs_overlays_trampoline_lowered:
0x8: {  	[smem:$0x3FA8] =	sst s0  }
0x9: {  	[smem:$0x3FA9] =	sst s1  }
0xa: {  	[smem:$0x3FAA] =	sst s2  }
0xb: {  	[smem:$0x3FAB] =	sst s3  }
0xc: {  	[smem:$0x3FAC] =	sst s4  }
0xd: {  	[smem:$0x3FAD] =	sst s5  }
0xe: {  	[smem:$0x3FAE] =	sst s6  }
0xf: {  	[smem:$0x3FAF] =	sst s7  }
0x10: {  	[smem:$0x3FB0] =	sst s8  }
0x11: {  	[smem:$0x3FB1] =	sst s9;
	s0 =	simm.s32 @!p0 $0x0  }
0x12: {  	s1 =	sld [smem:$0x3F97];
	s0 =	simm.s32 @p0 $0x1  }
0x13: {  	[smem:$0x3FB2] =	sst s0;
	s0 =	simm.s32 @!p1 $0x0  }
0x14: {  	s2 =	sld [smem:$0x3F96];
	s0 =	simm.s32 @p1 $0x1  }
0x15: {  	[smem:$0x3FB3] =	sst s0;
	s0 =	simm.s32 @!p2 $0x0  }
0x16: {  	s3 =	sld [smem:$0x3FDB];
	s0 =	simm.s32 @p2 $0x1  }
0x17: {  	s4 =	simm.s32 $0x1BF5;
	[smem:$0x3FB5] =	sst s0  }
0x18: {  	s0 =	sld [smem:$0x3F98];
	_ =	swait.ge [sflag:s4], $0x0  }
0x19: {  	s7 =	sld [smem:$0x3F99]  }
0x1a: {  	s8 =	sadd.s32 $0xFFFFE003, lr  }
0x1b: {  	s9 =	sadd.s32 $0xFFFFFEF7, lr;
	s5 =	simm.s32 $0xFFFFFFFF;
	p2 =	slt.u32 s8, $0xFFFFF086  }
0x1c: {  	p1 =	slt.u32 s9, $0xF7A;
	s5 =	simm.s32 @!p2 $0x0  }
0x1d: {  	s5 =	simm.s32 @p1 $0x1;
	p0 =	seq.s32 s7, s2  }
0x1e: {  	s7 =	smul.u32 @!p0 $0xF7A, s2;
	p2 =	seq.s32 @!p0 s5, $0x0  }
0x1f: {  	s9 =	smul.u32 $0xF7A, s1;
	s8 =	simm.s32 @!p0 $0x1BF5;
	p2 =	por !p2, p0  }
0x20: {  	[sflag:s8] =	ssyncset.s32 @!p0 $0xFFFFF086;
	s6 =	sadd.s32 @!p0 s3, s7;
	s7 =	simm.s32 @!p0 $0x108  }
0x21: {  	s3 =	sadd.s32 s3, s9;
	s6 =	sadd.s32 @!p0 $0x88, s6;
	s7 =	simm.s32 @p2 $0x1082  }
0x22: {  	[simem:s7], [sflag:s8] =	dma.local @!p0 [hbm:s6], $0xF7A  }
0x23: {  	s9 =	sor.u32 $0xD0000000, s2;
	s6 =	simm.s32 $0x108;
	_ =	swait.ge @!p0 [sflag:s8], $0x0  }
0x24: {  	s3 =	sadd.s32 $0x88, s3;
	s6 =	simm.s32 @!p1 $0x1082;
	[sflag:s4] =	ssyncset.s32 $0xFFFFF086  }
0x25: {  	[simem:s6], [sflag:s4] =	dma.local [hbm:s3], $0xF7A  }
0x26: {  	[smem:$0x3F99] =	sst s1;
	(tag) =	ssettag s2;
	_ =	strace s9  }
0x27: {  	s1 =	sld [smem:$0x3FA9]  }
0x28: {  	s2 =	sld [smem:$0x3FAA]  }
0x29: {  	s4 =	sld [smem:$0x3FAC]  }
0x2a: {  	p0 =	seq.s32 s5, $0x0;
	s5 =	sld [smem:$0x3FAD]  }
0x2b: {  	s6 =	sld [smem:$0x3FAE]  }
0x2c: {  	s7 =	sld [smem:$0x3FAF]  }
0x2d: {  	s3 =	simm.s32 $0x108;
	s8 =	sld [smem:$0x3FB0]  }
0x2e: {  	s3 =	simm.s32 @!p0 $0x1082;
	s9 =	sld [smem:$0x3FB1]  }
0x2f: {  	lr =	sadd.s32 s0, s3;
	s0 =	sld [smem:$0x3FA8]  }
0x30: {  	s3 =	sld [smem:$0x3FAB]  }
0x31: {  	[smem:$0x3FB4] =	sst s10  }
0x32: {  	s10 =	sld [smem:$0x3FB2];
	_ =	sdelay $0x3  }
0x33: {  	p0 =	seq.s32 s10, $0x1;
	s10 =	sld [smem:$0x3FB4];
	_ =	sdelay $0x3  }
0x34: {  	[smem:$0x3FB4] =	sst s10  }
0x35: {  	s10 =	sld [smem:$0x3FB3];
	_ =	sdelay $0x3  }
0x36: {  	p1 =	seq.s32 s10, $0x1;
	s10 =	sld [smem:$0x3FB4];
	_ =	sdelay $0x3  }
0x37: {  	[smem:$0x3FB4] =	sst s10  }
0x38: {  	s10 =	sld [smem:$0x3FB5]  }
0x39: {  	_ = 	snop;
	(pc) =	sbr.ind lr, $3  }
0x3a: {  	_ = 	snop  }
0x3b: {  	_ = 	snop  }
0x3c: {  	p2 =	seq.s32 s10, $0x1;
	s10 =	sld [smem:$0x3FB4]  }
0x3d: {  	_ =	shalt  }
0x3e: {  	_ =	shalt  }
0x3f: {  	_ =	shalt  }
0x40: {  	_ =	shalt  }
0x41: {  	_ =	shalt  }
0x42: {  	_ =	shalt  }
0x43: {  	_ =	shalt  }
0x44: {  	_ =	shalt  }
0x45: {  	_ =	shalt  }
0x46: {  	_ =	shalt  }
0x47: {  	_ =	shalt  }
0x48: {  	_ =	shalt  }
0x49: {  	_ =	shalt  }
0x4a: {  	_ =	shalt  }
0x4b: {  	_ =	shalt  }
0x4c: {  	_ =	shalt  }
0x4d: {  	_ =	shalt  }
0x4e: {  	_ =	shalt  }
0x4f: {  	_ =	shalt  }
0x50: {  	_ =	shalt  }
0x51: {  	_ =	shalt  }
0x52: {  	_ =	shalt  }
0x53: {  	_ =	shalt  }
0x54: {  	_ =	shalt  }
0x55: {  	_ =	shalt  }
0x56: {  	_ =	shalt  }
0x57: {  	_ =	shalt  }
0x58: {  	_ =	shalt  }
0x59: {  	_ =	shalt  }
0x5a: {  	_ =	shalt  }
0x5b: {  	_ =	shalt  }
0x5c: {  	_ =	shalt  }
0x5d: {  	_ =	shalt  }
0x5e: {  	_ =	shalt  }
0x5f: {  	_ =	shalt  }
0x60: {  	_ =	shalt  }
0x61: {  	_ =	shalt  }
0x62: {  	_ =	shalt  }
0x63: {  	_ =	shalt  }
0x64: {  	_ =	shalt  }
0x65: {  	_ =	shalt  }
0x66: {  	_ =	shalt  }
0x67: {  	_ =	shalt  }
0x68: {  	_ =	shalt  }
0x69: {  	_ =	shalt  }
0x6a: {  	_ =	shalt  }
0x6b: {  	_ =	shalt  }
0x6c: {  	_ =	shalt  }
0x6d: {  	_ =	shalt  }
0x6e: {  	_ =	shalt  }
0x6f: {  	_ =	shalt  }
0x70: {  	_ =	shalt  }
0x71: {  	_ =	shalt  }
0x72: {  	_ =	shalt  }
0x73: {  	_ =	shalt  }
0x74: {  	_ =	shalt  }
0x75: {  	_ =	shalt  }
0x76: {  	_ =	shalt  }
0x77: {  	_ =	shalt  }
0x78: {  	_ =	shalt  }
0x79: {  	_ =	shalt  }
0x7a: {  	_ =	shalt  }
0x7b: {  	_ =	shalt  }
0x7c: {  	_ =	shalt  }
0x7d: {  	_ =	shalt  }
0x7e: {  	_ =	shalt  }
0x7f: {  	_ =	shalt  }
0x80: {  	_ =	shalt  }
0x81: {  	_ =	shalt  }
0x82: {  	_ =	shalt  }
0x83: {  	_ =	shalt  }
0x84: {  	_ =	shalt  }
0x85: {  	_ =	shalt  }
0x86: {  	_ =	shalt  }
0x87: {  	_ =	shalt  }
.Lfunc_end0:
.L_simem_size_0:
called_computation.3_lowered:
.L_overlay_start_0:
0x88: {  	s2 =	sld [smem:$0x3FD9]  }
0x89: {  	s3 =	sld [smem:$0x3FFE];
	_ =	sdelay $0x1  }
0x8a: {  	s1 =	srdreg.scid  }
0x8b: {  	s0 =	sand.u32 $0x1, s1  }
0x8c: {  	s17 =	sshll.u32 s0, $0xA;
	s2 =	sadd.s32 s3, s2  }
0x8d: {  	s2 =	sadd.s32 s2, s17  }
0x8e: {  	[smem:$0x3FC0] =	sst s2  }
0x8f: {  	_ = 	snop  }
0x90: {  	s2 =	sld [smem:$0x3FD0];
	(tm) =	ssettm $0x1  }
0x91: {  	s18 =	sld [smem:$0x3FFB];
	_ =	sdelay $0x3  }
0x92: {  	_ =	strace s18  }
0x93: {  	s3 =	sld [smem:$0x3FFC];
	_ =	sdelay $0x3  }
0x94: {  	_ =	strace s3  }
0x95: {  	s3 =	sld [smem:$0x3FFD];
	_ =	sdelay $0x3  }
0x96: {  	_ =	strace s3  }
0x97: {  	_ =	strace $0x8FFFFFFF  }
0x98: {  	s19 =	sld [smem:$0x3FDB];
	_ =	sdelay $0x1  }
0x99: {  	s4 =	simm.s32 $_scs_section_size  }
0x9a: {  	s5 =	simm.s32 $_size__tile_overlayer_lowered;
	s6 =	simm.s32 $_tile_overlayer_lowered  }
0x9b: {  	s22 =	simm.s32 $0x1BFF;
	s21 =	sshll.u32 s6, $0x1;
	s3 =	sadd.s32 s4, s19  }
0x9c: {  	s7 =	simm.s32 $0x0;
	s20 =	sshll.u32 s5, $0x1;
	s5 =	sadd.s32 s21, s3  }
0x9d: {  	[timem:s7], [sflag:s22] =	dma.local [hbm:s5], s20  }
0x9e: {  	_ =	swait.ge [sflag:s22], s20  }
0x9f: {  	s4 =	ssub.s32 $0x0, s20;
	[sflag:s22] =	ssyncset.done $0x0  }
0xa0: {  	[sflag:s22] =	ssyncadd.s32 s4;
	_ =	sdelay $0x1  }
0xa1: {  	s23 =	simm.s32 $0x1B8B  }
0xa2: {  	_ =	swait.ge [sflag:s23], $0x1  }
0xa3: {  	[sflag:s23] =	ssyncset.done $0x0  }
0xa4: {  	s25 =	simm.s32 $0x1B8E;
	s24 =	sld [smem:$0x3FFE];
	[sflag:s23] =	ssyncadd.s32 $0xFFFFFFFF  }
0xa5: {  	s26 =	simm.s32 $execute0_lowered;
	[smem:$0x3FD2] =	sst s25  }
0xa6: {  	s5 =	sshll.u32 s26, $0x1;
	_ =	strace $0x8000004F;
	[dreg:$0x1] =	wrdreg $0xFFFFFFFF  }
0xa7: {  	s28 =	simm.s32 $_size_execute0_lowered;
	s3 =	sadd.s32 s3, s5;
	[dreg:$0x0] =	wrdreg $0x0  }
0xa8: {  	s5 =	sshll.u32 s28, $0x1;
	[dreg:$0x2] =	wrdreg s3  }
0xa9: {  	[dreg:$0x3] =	wrdreg s5  }
0xaa: {  	[dreg:$0x4] =	wrdreg $0xC0  }
0xab: {  	_ =	task [dreg:s7], $0x5FFFF  }
0xac: {  	[dreg:$0x1] =	wrdreg $0xFFFFFFFF  }
0xad: {  	[dreg:$0x0] =	wrdreg $0x60  }
0xae: {  	[dreg:$0x2] =	wrdreg s2  }
0xaf: {  	[dreg:$0x3] =	wrdreg s24  }
0xb0: {  	[dreg:$0x4] =	wrdreg $0x82000  }
0xb1: {  	[dreg:$0x5] =	wrdreg $0x9  }
0xb2: {  	_ =	task.clear_ibuf [dreg:s7], $0x6FFFF;
	_ =	strace $0x9000004F  }
0xb3: {  	s29 =	simm.s32 $0x9;
	_ =	strace $0x80000051  }
0xb4: {  	_ =	swait.ge [sflag:s29], $0x1  }
0xb5: {  	[sflag:s29] =	ssyncadd.s32 $0xFFFFFFFF  }
0xb6: {  	_ =	strace $0x90000051  }
0xb7: {  	_ =	sfence  }
0xb8: {  	s30 =	sld [smem:$0x0];
	_ =	sdelay $0x2  }
0xb9: {  	s31 =	sshll.u32 s1, $0xD;
	s1 =	sshrl.u32 s1, $0x2  }
0xba: {  	s3 =	sand.u32 $0x4000, s31;
	s1 =	sadd.s32 s1, s30  }
0xbb: {  	s0 =	sor.u32 s3, s0;
	s1 =	sshll.u32 s1, $0x11  }
0xbc: {  	s0 =	sor.u32 s1, s0  }
0xbd: {  	s0 =	sadd.s32 $0x8F2B, s0  }
0xbe: {  	[sflag:s0] =	ssyncadd.remote.s32 $0x1  }
0xbf: {  	_ =	sfence.sel $0xFFFF  }
0xc0: {  	[dreg:$0x0] =	wrdreg $0xFFFFFFFF;
	(pc) =	sbr.abs _section_cstart, $3  }
0xc1: {  	[dreg:$0x1] =	wrdreg $0xFFFFFFFF  }
0xc2: {  	_ =	task.clear_ibuf [dreg:s7], $0x2FFFF;
	_ =	strace $0x9FFFFFFF  }
0xc3: {  	(tm) =	ssettm $0x7FFFFFFF  }
tec
execute0_lowered:
.L_overlay_start_1:
0x0: {  	(tag) =	ssettag $0x1  }
0x1: {  	s1 =	rddreg [dreg:$0x0]  }
0x2: {  	s5 =	rddreg [dreg:$0x1]  }
0x3: {  	s3 =	rddreg [dreg:$0x2]  }
0x4: {  	s0 =	rddreg [dreg:$0x3]  }
0x5: {  	s4 =	simm.s32 $0x0;
	s2 =	stileid.u32;
	s6 =	srdreg.scid  }
0x6: {  	s16 =	simm.s32 $0x80;
	s17 =	simm.s32 $0x200;
	s18 =	simm.s32 $0x180  }
0x7: {  	s19 =	simm.s32 $0x4200;
	s20 =	simm.s32 $0x1;
	s21 =	simm.s32 $0x2  }
0x8: {  	s22 =	simm.s32 $0x3;
	s23 =	simm.s32 $0x4;
	s7 =	smul.u32 $0x13C00, s2  }
0x9: {  	s24 =	simm.s32 $0x0;
	[smem:$0x7FF] =	sst s4;
	s10 =	smul.u32 $0x4F000, s2  }
0xa: {  	s6 =	sand.u32 $0x1, s6;
	s12 =	sadd.s32 $0xD600, s5;
	s26 =	smul.u32 $0x5000, s2  }
0xb: {  	s11 =	sadd.s32 $0x3600, s5;
	s30 =	sshll.u32 s2, $0x6;
	s8 =	smul.u32 $0x13C000, s6  }
0xc: {  	_ =	strace $0x80000050;
	s13 =	ssub.s32 $0x2, s6;
	s6 =	smul.u32 $0x2800, s6  }
0xd: {  	s9 =	sshrl.u32 s7, $0x3;
	s28 =	sshrl.u32 s13, $0x1;
	s10 =	sshrl.u32 s10, $0x2  }
0xe: {  	s9 =	sadd.s32 s9, s5;
	s7 =	sadd.s32 s7, s8;
	s13 =	ssub.s32 s13, s28  }
0xf: {  	s14 =	sadd.s32 s10, s3;
	s29 =	sadd.s32 s6, s26;
	s6 =	sor.u32 $0x1C05, s30  }
0x10: {  	s7 =	sshrl.u32 s7, $0x3;
	s8 =	sor.u32 $0x80, s29;
	s31 =	sshrl.u32 s29, $0x3  }
0x11: {  	s7 =	sadd.s32 s7, s5;
	s5 =	sadd.s32 $0x17600, s9;
	s15 =	sshrl.u32 s8, $0x3  }
0x12: {  	s8 =	smax.u32 s13, $0x1;
	s13 =	sshrl.u32 s14, $0x3;
	s14 =	simm.s32 $0x5  }
0x13: {  	s7 =	sadd.s32 $0x8DE00, s7;
	s9 =	sadd.s32 s15, s11;
	s10 =	sadd.s32 s15, s12  }
0x14: {  	s11 =	sadd.s32 s31, s11;
	s12 =	sadd.s32 s31, s12;
	s15 =	simm.s32 $0x100  }
.LBB2_1:
0x15: {  	[spmem:s13], [sflag:s6] =	dma.local [hbm:s5], $0x2780  }
0x16: {  	_ =	swait.ge [sflag:s14], $0x2780  }
0x17: {  	[sflag:s14] =	ssyncset.done $0x0  }
0x18: {  	[sflag:s14] =	ssyncadd.s32 $0xFFFFD880  }
0x19: {  	s25 =	sadd.s32 $0x0, s12;
	[bflag:$0x0] =	sbarrier.arrive $0xFFFF  }
0x1a: {  	[tilespmem:s4], [sflag:$0x5] =	stream.linear.gather [hbm4b:s25+s4], $0x80, $0x38;
	[tilespmem:$0x1BE00] =	vst v63  }
0x1b: {  	_ =	swait.ge [sflag:s14], $0x80  }
0x1c: {  	[sflag:s14] =	ssyncset.done $0x0  }
0x1d: {  	s29 =	sadd.s32 $0x0, s11;
	[sflag:s14] =	ssyncadd.s32 $0xFFFFFF80  }
0x1e: {  	[tilespmem:s15], [sflag:$0x5] =	stream.linear.gather [hbm4b:s29+s4], $0x80, $0x38;
	[tilespmem:$0x1BE00] =	vst v63  }
0x1f: {  	_ =	swait.ge [sflag:s14], $0x80  }
0x20: {  	[sflag:s14] =	ssyncset.done $0x0  }
0x21: {  	[sflag:s14] =	ssyncadd.s32 $0xFFFFFF80  }
0x22: {  	[tilespmem:s17], [sflag:$0x1] =	stream.indirect.gather [hbm4b:s1+s16], $0x80, s4, s16, $0xb8;
	[tilespmem:$0x1BE00] =	vst v63  }
0x23: {  	s30 =	sadd.s32 $0x0, s10  }
0x24: {  	[tilespmem:s16], [sflag:$0x5] =	stream.linear.gather [hbm4b:s30+s4], $0x80, $0x38;
	[tilespmem:$0x1BE00] =	vst v63  }
0x25: {  	_ =	swait.ge [sflag:s14], $0x80  }
0x26: {  	[sflag:s14] =	ssyncset.done $0x0  }
0x27: {  	s31 =	sadd.s32 $0x0, s9;
	[sflag:s14] =	ssyncadd.s32 $0xFFFFFF80  }
0x28: {  	[tilespmem:s18], [sflag:$0x5] =	stream.linear.gather [hbm4b:s31+s4], $0x80, $0x38;
	[tilespmem:$0x1BE00] =	vst v63  }
0x29: {  	_ =	swait.ge [sflag:s14], $0x80  }
0x2a: {  	[sflag:s14] =	ssyncset.done $0x0  }
0x2b: {  	[sflag:s14] =	ssyncadd.s32 $0xFFFFFF80  }
0x2c: {  	[tilespmem:s19], [sflag:$0x2] =	stream.indirect.gather [hbm4b:s1+s16], $0x80, s16, s16, $0xb8;
	[tilespmem:$0x1BE00] =	vst v63  }
0x2d: {  	_ =	swait.ge [sflag:s20], $0x4000  }
0x2e: {  	[sflag:s20] =	ssyncset.done $0x0  }
0x2f: {  	[sflag:s20] =	ssyncadd.s32 $0xFFFFC000  }
0x30: {  	[spmem:s3] =	stream.indirect.scatter.add.f32 [tilespmem:s17], [sflag:$0x3], $0x80, s15, s16, $0xb8;
	[tilespmem:$0x1BE00] =	vst v63  }
0x31: {  	_ =	swait.ge [sflag:s21], $0x4000  }
0x32: {  	[sflag:s21] =	ssyncset.done $0x0  }
0x33: {  	[sflag:s21] =	ssyncadd.s32 $0xFFFFC000  }
0x34: {  	[spmem:s3] =	stream.indirect.scatter.add.f32 [tilespmem:s19], [sflag:$0x4], $0x80, s18, s16, $0xb8;
	[tilespmem:$0x1BE00] =	vst v63  }
0x35: {  	_ =	swait.ge [sflag:s22], $0x4000  }
0x36: {  	[sflag:s22] =	ssyncset.done $0x0  }
0x37: {  	[sflag:s22] =	ssyncadd.s32 $0xFFFFC000  }
0x38: {  	_ =	swait.ge [sflag:s23], $0x4000  }
0x39: {  	s28 =	simm.s32 $0x40;
	s25 =	simm.s32 $0x20;
	[sflag:s23] =	ssyncset.done $0x0  }
.LBB2_2:
0x3a: {  	s29 =	sadd.s32 s25, s12  }
0x3b: {  	[sflag:s23] =	ssyncadd.s32 $0xFFFFC000;
	s30 =	smov.u32 s28;
	s26 =	sadd.s32 $0x20, s28  }
0x3c: {  	[tilespmem:s4], [sflag:$0x5] =	stream.linear.gather [hbm4b:s29+s4], $0x80, $0x38;
	[tilespmem:$0x1BE00] =	vst v63  }
0x3d: {  	p0 =	sne.s32 s28, $0x4E0;
	_ =	swait.ge [sflag:s14], $0x80  }
0x3e: {  	[sflag:s14] =	ssyncset.done $0x0  }
0x3f: {  	s28 =	sadd.s32 s25, s11;
	[sflag:s14] =	ssyncadd.s32 $0xFFFFFF80  }
0x40: {  	[tilespmem:s15], [sflag:$0x5] =	stream.linear.gather [hbm4b:s28+s4], $0x80, $0x38;
	[tilespmem:$0x1BE00] =	vst v63  }
0x41: {  	_ =	swait.ge [sflag:s14], $0x80  }
0x42: {  	[sflag:s14] =	ssyncset.done $0x0  }
0x43: {  	[sflag:s14] =	ssyncadd.s32 $0xFFFFFF80  }
0x44: {  	[tilespmem:s17], [sflag:$0x1] =	stream.indirect.gather [hbm4b:s1+s16], $0x80, s4, s16, $0xb8;
	[tilespmem:$0x1BE00] =	vst v63  }
0x45: {  	s28 =	sadd.s32 s25, s10  }
0x46: {  	[tilespmem:s16], [sflag:$0x5] =	stream.linear.gather [hbm4b:s28+s4], $0x80, $0x38;
	[tilespmem:$0x1BE00] =	vst v63  }
0x47: {  	_ =	swait.ge [sflag:s14], $0x80  }
0x48: {  	[sflag:s14] =	ssyncset.done $0x0  }
0x49: {  	s28 =	sadd.s32 s25, s9;
	s25 =	smov.u32 s30;
	[sflag:s14] =	ssyncadd.s32 $0xFFFFFF80  }
0x4a: {  	[tilespmem:s18], [sflag:$0x5] =	stream.linear.gather [hbm4b:s28+s4], $0x80, $0x38;
	[tilespmem:$0x1BE00] =	vst v63  }
0x4b: {  	_ =	swait.ge [sflag:s14], $0x80  }
0x4c: {  	[sflag:s14] =	ssyncset.done $0x0  }
0x4d: {  	[sflag:s14] =	ssyncadd.s32 $0xFFFFFF80  }
0x4e: {  	[tilespmem:s19], [sflag:$0x2] =	stream.indirect.gather [hbm4b:s1+s16], $0x80, s16, s16, $0xb8;
	[tilespmem:$0x1BE00] =	vst v63  }
0x4f: {  	_ =	swait.ge [sflag:s20], $0x4000  }
0x50: {  	[sflag:s20] =	ssyncset.done $0x0  }
0x51: {  	[sflag:s20] =	ssyncadd.s32 $0xFFFFC000  }
0x52: {  	[spmem:s3] =	stream.indirect.scatter.add.f32 [tilespmem:s17], [sflag:$0x3], $0x80, s15, s16, $0xb8;
	[tilespmem:$0x1BE00] =	vst v63  }
0x53: {  	_ =	swait.ge [sflag:s21], $0x4000  }
0x54: {  	[sflag:s21] =	ssyncset.done $0x0  }
0x55: {  	[sflag:s21] =	ssyncadd.s32 $0xFFFFC000  }
0x56: {  	[spmem:s3] =	stream.indirect.scatter.add.f32 [tilespmem:s19], [sflag:$0x4], $0x80, s18, s16, $0xb8;
	[tilespmem:$0x1BE00] =	vst v63  }
.Ltmp0:
0x57: {  	_ =	swait.ge [sflag:s22], $0x4000;
	(pc) =	sbr.rel @p0 .LBB2_2-.Ltmp0, $4  }
0x58: {  	[sflag:s22] =	ssyncset.done $0x0  }
0x59: {  	[sflag:s22] =	ssyncadd.s32 $0xFFFFC000  }
0x5a: {  	_ =	swait.ge [sflag:s23], $0x4000  }
0x5b: {  	s28 =	smov.u32 s26;
	[sflag:s23] =	ssyncset.done $0x0  }
0x5c: {  	s26 =	sadd.s32 s25, s12;
	[sflag:s23] =	ssyncadd.s32 $0xFFFFC000  }
0x5d: {  	[tilespmem:s4], [sflag:$0x5] =	stream.linear.gather [hbm4b:s26+s4], $0x80, $0x38;
	[tilespmem:$0x1BE00] =	vst v63  }
0x5e: {  	_ =	swait.ge [sflag:s14], $0x80  }
0x5f: {  	[sflag:s14] =	ssyncset.done $0x0  }
0x60: {  	s29 =	sadd.s32 s25, s11;
	[sflag:s14] =	ssyncadd.s32 $0xFFFFFF80  }
0x61: {  	[tilespmem:s15], [sflag:$0x5] =	stream.linear.gather [hbm4b:s29+s4], $0x80, $0x38;
	[tilespmem:$0x1BE00] =	vst v63  }
0x62: {  	_ =	swait.ge [sflag:s14], $0x80  }
0x63: {  	[sflag:s14] =	ssyncset.done $0x0  }
0x64: {  	[sflag:s14] =	ssyncadd.s32 $0xFFFFFF80  }
0x65: {  	[tilespmem:s17], [sflag:$0x1] =	stream.indirect.gather [hbm4b:s1+s16], $0x80, s4, s16, $0xb8;
	[tilespmem:$0x1BE00] =	vst v63  }
0x66: {  	s30 =	sadd.s32 s25, s10  }
0x67: {  	[tilespmem:s16], [sflag:$0x5] =	stream.linear.gather [hbm4b:s30+s4], $0x80, $0x38;
	[tilespmem:$0x1BE00] =	vst v63  }
0x68: {  	_ =	swait.ge [sflag:s14], $0x80  }
0x69: {  	[sflag:s14] =	ssyncset.done $0x0  }
0x6a: {  	s31 =	sadd.s32 s25, s9;
	[sflag:s14] =	ssyncadd.s32 $0xFFFFFF80  }
0x6b: {  	[tilespmem:s18], [sflag:$0x5] =	stream.linear.gather [hbm4b:s31+s4], $0x80, $0x38;
	[tilespmem:$0x1BE00] =	vst v63  }
0x6c: {  	_ =	swait.ge [sflag:s14], $0x80  }
0x6d: {  	[sflag:s14] =	ssyncset.done $0x0  }
0x6e: {  	[sflag:s14] =	ssyncadd.s32 $0xFFFFFF80  }
0x6f: {  	[tilespmem:s19], [sflag:$0x2] =	stream.indirect.gather [hbm4b:s1+s16], $0x80, s16, s16, $0xb8;
	[tilespmem:$0x1BE00] =	vst v63  }
0x70: {  	_ =	swait.ge [sflag:s20], $0x4000  }
0x71: {  	[sflag:s20] =	ssyncset.done $0x0  }
0x72: {  	[sflag:s20] =	ssyncadd.s32 $0xFFFFC000  }
0x73: {  	[spmem:s3] =	stream.indirect.scatter.add.f32 [tilespmem:s17], [sflag:$0x3], $0x80, s15, s16, $0xb8;
	[tilespmem:$0x1BE00] =	vst v63  }
0x74: {  	_ =	swait.ge [sflag:s21], $0x4000  }
0x75: {  	[sflag:s21] =	ssyncset.done $0x0  }
0x76: {  	[sflag:s21] =	ssyncadd.s32 $0xFFFFC000  }
0x77: {  	[spmem:s3] =	stream.indirect.scatter.add.f32 [tilespmem:s19], [sflag:$0x4], $0x80, s18, s16, $0xb8;
	[tilespmem:$0x1BE00] =	vst v63  }
0x78: {  	_ =	swait.ge [sflag:s22], $0x4000  }
0x79: {  	[sflag:s22] =	ssyncset.done $0x0  }
0x7a: {  	[sflag:s22] =	ssyncadd.s32 $0xFFFFC000  }
0x7b: {  	_ =	swait.ge [sflag:s23], $0x4000  }
0x7c: {  	s24 =	sadd.s32 $0x1, s24;
	[sflag:s23] =	ssyncset.done $0x0  }
0x7d: {  	p0 =	sne.s32 s24, s8;
	[sflag:s23] =	ssyncadd.s32 $0xFFFFC000  }
.Ltmp1:
0x7e: {  	[bflag:$0x0] =	sbarrier.arrive $0xFFFF;
	(pc) =	sbr.rel @p0 .LBB2_1-.Ltmp1, $4  }
0x7f: {  	[hbm:s7], [sflag:s6] =	dma.local [spmem:s13], $0x2780  }
0x80: {  	_ =	swait.ge [sflag:s14], $0x2780  }
0x81: {  	[sflag:s14] =	ssyncset.done $0x0  }
0x82: {  	[sflag:s14] =	ssyncadd.s32 $0xFFFFD880  }
0x83: {  	_ =	sfence.sel $0x180000  }
0x84: {  	[bflag:$0x0] =	sbarrier.arrive $0xFFFF  }
0x85: {  	p0 =	sne.s32 s2, $0x0;
	_ =	strace $0x90000050  }
0x86: {  	s0 =	sadd.s32 @!p0 $0x100000, s0;
	[bflag:$0x2] =	sbarrier.arrive $0xFFFF  }
0x87: {  	[sflag:s0] =	ssyncadd.tile.s32 @!p0 $0x1;
	_ =	shalt  }
.Lfunc_end2:
_tile_overlayer_lowered:
.L_overlay_start_2:
0x88: {  	(tag) =	ssettag $0x2  }
0x89: {  	s0 =	rddreg [dreg:$0x0];
	s2 =	stileid.u32  }
0x8a: {  	s1 =	rddreg [dreg:$0x1];
	p0 =	sne.s32 s2, $0x0  }
0x8b: {  	s3 =	rddreg [dreg:$0x2];
	[bflag:$0x3] =	sbarrier.arrive $0xFFFF;
	s2 =	simm.s32 @!p0 $0x1C05  }
0x8c: {  	[timem:s3], [sflag:s2] =	dma.local @!p0 [hbm:s0], s1  }
0x8d: {  	s0 =	simm.s32 @!p0 $0x5  }
0x8e: {  	_ =	swait.ge @!p0 [sflag:s0], s1  }
0x8f: {  	s1 =	ssub.s32 @!p0 $0x0, s1;
	[sflag:s0] =	ssyncset.done @!p0 $0x0  }
0x90: {  	[sflag:s0] =	ssyncadd.s32 @!p0 s1  }
0x91: {  	[bflag:$0x3] =	sbarrier.arrive $0xFFFF  }
0x92: {  	_ =	shalt  }

</sc_bundles>
